<compile_context>
chip_gen: v7x
topology: tpu7x:2x2x1
jax: 0.10.2.dev20260603
libtpu: 0.0.44.dev20260713+nightly
codegen_flags: <defaults>
</compile_context>

<pallas_src>
import functools

import jax
import jax.numpy as jnp
from jax import lax
from jax.experimental import pallas as pl
from jax.experimental.pallas import tpu as pltpu
from jax.experimental.pallas import tpu_sc as plsc

N_NEG = 20
N_ROWS = N_NEG + 1
B = 16384
NC = 2
NS = 16
NW = NC * NS
B_PER_W = B // NW
L = 16


def _sc_denom_product(x, pos, neg):
    mesh = plsc.VectorSubcoreMesh(core_axis_name="c", subcore_axis_name="s")

    @functools.partial(
        pl.kernel,
        mesh=mesh,
        out_type=jax.ShapeDtypeStruct((B,), jnp.float32),
        scratch_types=[
            pltpu.VMEM((N_ROWS * B_PER_W,), jnp.int32),
            pltpu.VMEM((N_ROWS * B_PER_W,), jnp.float32),
            pltpu.VMEM((B_PER_W,), jnp.float32),
            pltpu.SemaphoreType.DMA,
            pltpu.SemaphoreType.DMA,
        ],
    )
    def k(x_hbm, pos_hbm, neg_hbm, out_hbm, idx_v, g_v, d_v, sem_i, sem_g):
        wid = lax.axis_index("s") * NC + lax.axis_index("c")
        base = wid * B_PER_W

        cps = [pltpu.async_copy(pos_hbm.at[pl.ds(base, B_PER_W)],
                                idx_v.at[pl.ds(0, B_PER_W)], sem_i)]
        for i in range(N_NEG):
            cps.append(pltpu.async_copy(
                neg_hbm.at[i, pl.ds(base, B_PER_W)],
                idx_v.at[pl.ds((i + 1) * B_PER_W, B_PER_W)], sem_i))

        gps = []
        for i in range(N_ROWS):
            cps[i].wait()
            gps.append(pltpu.async_copy(
                x_hbm.at[idx_v.at[pl.ds(i * B_PER_W, B_PER_W)]],
                g_v.at[pl.ds(i * B_PER_W, B_PER_W)], sem_g))
        for gp in gps:
            gp.wait()

        @pl.loop(0, B_PER_W, step=L)
        def _(jv):
            v = g_v[pl.ds(jv, L)]
            d = 1.0 + jnp.exp(-v)
            for i in range(1, N_ROWS):
                vi = g_v[pl.ds(i * B_PER_W + jv, L)]
                d = d * (1.0 + jnp.exp(vi))
            d_v[pl.ds(jv, L)] = d

        pltpu.sync_copy(d_v, out_hbm.at[pl.ds(base, B_PER_W)])

    return k(x, pos, neg)


def _tc_log(d):
    def body(d_ref, o_ref):
        o_ref[...] = jnp.log(d_ref[...])

    out = pl.pallas_call(
        body,
        out_shape=jax.ShapeDtypeStruct((B // 128, 128), jnp.float32),
    )(d.reshape(B // 128, 128))
    return out.reshape(B)


def kernel(x, positiveItem, negativeItem):
    pos = positiveItem.astype(jnp.int32)
    neg = negativeItem.astype(jnp.int32)
    d = _sc_denom_product(x, pos, neg)
    return _tc_log(d)

# --- scband reference (transcript-rebuilt; emitter-appended) ---
"""Pipeline reference for scband-loss-func-79431125172990 (READ-ONLY COPY).

The authoritative reference and input builder live on the scoring server;
editing this copy changes nothing except your own understanding.
"""

import jax, jax.numpy as jnp
import numpy as np


def setup_inputs(seed: int = 0) -> dict:
    key = jax.random.key(seed)
    k1, k2, k3 = jax.random.split(key, 3)
    x = jax.random.normal(k1, (1000000,), dtype=jnp.float32)
    positiveItem = jax.random.randint(k2, (16384,), 0, 1000000, dtype=jnp.int64 if jax.config.jax_enable_x64 else jnp.int32)
    negativeItem = jax.random.randint(k3, (20, 16384), 0, 1000000, dtype=jnp.int64 if jax.config.jax_enable_x64 else jnp.int32)
    return {"x": x, "positiveItem": positiveItem, "negativeItem": negativeItem}


def reference(x, positiveItem, negativeItem):
    # output = sigmoid(x[positiveItem])
    output = jax.nn.sigmoid(jnp.take(x, positiveItem, axis=0))
    # for item in negativeItem: output *= sigmoid(-x[item])
    n_neg = negativeItem.shape[0]
    for i in range(n_neg):
        item = negativeItem[i]
        output = output * jax.nn.sigmoid(jnp.negative(jnp.take(x, item, axis=0)))
    output = jnp.log(output)
    output = jnp.negative(output)
    return output

if __name__ == "__main__":
    import jax
    _d = setup_inputs()
    print(jax.jit(kernel)(*tuple(_d.values())))

</pallas_src>

<mosaic_0001>
#map = affine_map<(d0, d1) -> (0)>
#map1 = affine_map<(d0, d1) -> (0, 0)>
module attributes {stable_mosaic.version = 14 : i64} {
  func.func @k(%arg0: i32, %arg1: i32, %arg2: memref<1000000xf32, #tpu.memory_space<hbm>>, %arg3: memref<16384xi32, #tpu.memory_space<hbm>>, %arg4: memref<20x16384xi32, #tpu.memory_space<hbm>>, %arg5: memref<16384xf32, #tpu.memory_space<hbm>>, %arg6: memref<10752xi32, #tpu.memory_space<vmem>>, %arg7: memref<10752xf32, #tpu.memory_space<vmem>>, %arg8: memref<512xf32, #tpu.memory_space<vmem>>, %arg9: memref<!tpu.dma_semaphore, #tpu.memory_space<semaphore_mem>>, %arg10: memref<!tpu.dma_semaphore, #tpu.memory_space<semaphore_mem>>) attributes {dimension_semantics = [#tpu.dimension_semantics<core_parallel>, #tpu.dimension_semantics<subcore_parallel>], iteration_bounds = array<i64: 2, 16>, scalar_prefetch = 0 : i64, scratch_operands = 5 : i64, tpu.core_type = #tpu.core_type<sc_vector_subcore>, window_params = [{transform_indices = #map}, {transform_indices = #map}, {transform_indices = #map1}, {transform_indices = #map}]} {
    %mul3A = arith.constant 2 : i32
    %mul3A_0 = arith.muli %arg1, %mul3A : i32
    %add3A = arith.addi %mul3A_0, %arg0 : i32
    %mul3A_1 = arith.constant 512 : i32
    %mul3A_2 = arith.muli %add3A, %mul3A_1 : i32
    %dma_start3A = arith.constant 0 : i32
    %dma_start3A_3 = tpu.memref_slice %arg6[%dma_start3A] : memref<10752xi32, #tpu.memory_space<vmem>> -> memref<512xi32, #tpu.memory_space<vmem>>
    %dma_start3A_4 = tpu.memref_slice %arg3[%mul3A_2] : memref<16384xi32, #tpu.memory_space<hbm>> -> memref<512xi32, #tpu.memory_space<hbm>>
    %dma_start3A_5 = arith.constant 0 : i32
    %dma_start3A_6 = tpu.memref_slice %arg6[%dma_start3A_5] : memref<10752xi32, #tpu.memory_space<vmem>> -> memref<512xi32, #tpu.memory_space<vmem>>
    %dma_start3A_7 = tpu.memref_slice %arg3[%mul3A_2] : memref<16384xi32, #tpu.memory_space<hbm>> -> memref<512xi32, #tpu.memory_space<hbm>>
    tpu.enqueue_dma source(%dma_start3A_7 : memref<512xi32, #tpu.memory_space<hbm>>) target(%dma_start3A_6 : memref<512xi32, #tpu.memory_space<vmem>>) target_semaphore(%arg9 : memref<!tpu.dma_semaphore, #tpu.memory_space<semaphore_mem>>)
    %dma_start3A_8 = arith.constant 0 : i32
    %dma_start3A_9 = arith.constant 512 : i32
    %dma_start3A_10 = tpu.memref_slice %arg6[%dma_start3A_9] : memref<10752xi32, #tpu.memory_space<vmem>> -> memref<512xi32, #tpu.memory_space<vmem>>
    %dma_start3A_11 = tpu.memref_slice %arg4[%dma_start3A_8, %mul3A_2] : memref<20x16384xi32, #tpu.memory_space<hbm>> -> memref<1x512xi32, #tpu.memory_space<hbm>>
    %dma_start3A_12 = tpu.memref_squeeze %dma_start3A_11 : memref<1x512xi32, #tpu.memory_space<hbm>> -> memref<512xi32, #tpu.memory_space<hbm>>
    %dma_start3A_13 = arith.constant 512 : i32
    %dma_start3A_14 = tpu.memref_slice %arg6[%dma_start3A_13] : memref<10752xi32, #tpu.memory_space<vmem>> -> memref<512xi32, #tpu.memory_space<vmem>>
    %dma_start3A_15 = tpu.memref_slice %arg4[%dma_start3A_8, %mul3A_2] : memref<20x16384xi32, #tpu.memory_space<hbm>> -> memref<1x512xi32, #tpu.memory_space<hbm>>
    %dma_start3A_16 = tpu.memref_squeeze %dma_start3A_15 : memref<1x512xi32, #tpu.memory_space<hbm>> -> memref<512xi32, #tpu.memory_space<hbm>>
    tpu.enqueue_dma source(%dma_start3A_16 : memref<512xi32, #tpu.memory_space<hbm>>) target(%dma_start3A_14 : memref<512xi32, #tpu.memory_space<vmem>>) target_semaphore(%arg9 : memref<!tpu.dma_semaphore, #tpu.memory_space<semaphore_mem>>)
    %dma_start3A_17 = arith.constant 1 : i32
    %dma_start3A_18 = arith.constant 1024 : i32
    %dma_start3A_19 = tpu.memref_slice %arg6[%dma_start3A_18] : memref<10752xi32, #tpu.memory_space<vmem>> -> memref<512xi32, #tpu.memory_space<vmem>>
    %dma_start3A_20 = tpu.memref_slice %arg4[%dma_start3A_17, %mul3A_2] : memref<20x16384xi32, #tpu.memory_space<hbm>> -> memref<1x512xi32, #tpu.memory_space<hbm>>
    %dma_start3A_21 = tpu.memref_squeeze %dma_start3A_20 : memref<1x512xi32, #tpu.memory_space<hbm>> -> memref<512xi32, #tpu.memory_space<hbm>>
    %dma_start3A_22 = arith.constant 1024 : i32
    %dma_start3A_23 = tpu.memref_slice %arg6[%dma_start3A_22] : memref<10752xi32, #tpu.memory_space<vmem>> -> memref<512xi32, #tpu.memory_space<vmem>>
    %dma_start3A_24 = tpu.memref_slice %arg4[%dma_start3A_17, %mul3A_2] : memref<20x16384xi32, #tpu.memory_space<hbm>> -> memref<1x512xi32, #tpu.memory_space<hbm>>
    %dma_start3A_25 = tpu.memref_squeeze %dma_start3A_24 : memref<1x512xi32, #tpu.memory_space<hbm>> -> memref<512xi32, #tpu.memory_space<hbm>>
    tpu.enqueue_dma source(%dma_start3A_25 : memref<512xi32, #tpu.memory_space<hbm>>) target(%dma_start3A_23 : memref<512xi32, #tpu.memory_space<vmem>>) target_semaphore(%arg9 : memref<!tpu.dma_semaphore, #tpu.memory_space<semaphore_mem>>)
    %dma_start3A_26 = arith.constant 2 : i32
    %dma_start3A_27 = arith.constant 1536 : i32
    %dma_start3A_28 = tpu.memref_slice %arg6[%dma_start3A_27] : memref<10752xi32, #tpu.memory_space<vmem>> -> memref<512xi32, #tpu.memory_space<vmem>>
    %dma_start3A_29 = tpu.memref_slice %arg4[%dma_start3A_26, %mul3A_2] : memref<20x16384xi32, #tpu.memory_space<hbm>> -> memref<1x512xi32, #tpu.memory_space<hbm>>
    %dma_start3A_30 = tpu.memref_squeeze %dma_start3A_29 : memref<1x512xi32, #tpu.memory_space<hbm>> -> memref<512xi32, #tpu.memory_space<hbm>>
    %dma_start3A_31 = arith.constant 1536 : i32
    %dma_start3A_32 = tpu.memref_slice %arg6[%dma_start3A_31] : memref<10752xi32, #tpu.memory_space<vmem>> -> memref<512xi32, #tpu.memory_space<vmem>>
    %dma_start3A_33 = tpu.memref_slice %arg4[%dma_start3A_26, %mul3A_2] : memref<20x16384xi32, #tpu.memory_space<hbm>> -> memref<1x512xi32, #tpu.memory_space<hbm>>
    %dma_start3A_34 = tpu.memref_squeeze %dma_start3A_33 : memref<1x512xi32, #tpu.memory_space<hbm>> -> memref<512xi32, #tpu.memory_space<hbm>>
    tpu.enqueue_dma source(%dma_start3A_34 : memref<512xi32, #tpu.memory_space<hbm>>) target(%dma_start3A_32 : memref<512xi32, #tpu.memory_space<vmem>>) target_semaphore(%arg9 : memref<!tpu.dma_semaphore, #tpu.memory_space<semaphore_mem>>)
    %dma_start3A_35 = arith.constant 3 : i32
    %dma_start3A_36 = arith.constant 2048 : i32
    %dma_start3A_37 = tpu.memref_slice %arg6[%dma_start3A_36] : memref<10752xi32, #tpu.memory_space<vmem>> -> memref<512xi32, #tpu.memory_space<vmem>>
    %dma_start3A_38 = tpu.memref_slice %arg4[%dma_start3A_35, %mul3A_2] : memref<20x16384xi32, #tpu.memory_space<hbm>> -> memref<1x512xi32, #tpu.memory_space<hbm>>
    %dma_start3A_39 = tpu.memref_squeeze %dma_start3A_38 : memref<1x512xi32, #tpu.memory_space<hbm>> -> memref<512xi32, #tpu.memory_space<hbm>>
    %dma_start3A_40 = arith.constant 2048 : i32
    %dma_start3A_41 = tpu.memref_slice %arg6[%dma_start3A_40] : memref<10752xi32, #tpu.memory_space<vmem>> -> memref<512xi32, #tpu.memory_space<vmem>>
    %dma_start3A_42 = tpu.memref_slice %arg4[%dma_start3A_35, %mul3A_2] : memref<20x16384xi32, #tpu.memory_space<hbm>> -> memref<1x512xi32, #tpu.memory_space<hbm>>
    %dma_start3A_43 = tpu.memref_squeeze %dma_start3A_42 : memref<1x512xi32, #tpu.memory_space<hbm>> -> memref<512xi32, #tpu.memory_space<hbm>>
    tpu.enqueue_dma source(%dma_start3A_43 : memref<512xi32, #tpu.memory_space<hbm>>) target(%dma_start3A_41 : memref<512xi32, #tpu.memory_space<vmem>>) target_semaphore(%arg9 : memref<!tpu.dma_semaphore, #tpu.memory_space<semaphore_mem>>)
    %dma_start3A_44 = arith.constant 4 : i32
    %dma_start3A_45 = arith.constant 2560 : i32
    %dma_start3A_46 = tpu.memref_slice %arg6[%dma_start3A_45] : memref<10752xi32, #tpu.memory_space<vmem>> -> memref<512xi32, #tpu.memory_space<vmem>>
    %dma_start3A_47 = tpu.memref_slice %arg4[%dma_start3A_44, %mul3A_2] : memref<20x16384xi32, #tpu.memory_space<hbm>> -> memref<1x512xi32, #tpu.memory_space<hbm>>
    %dma_start3A_48 = tpu.memref_squeeze %dma_start3A_47 : memref<1x512xi32, #tpu.memory_space<hbm>> -> memref<512xi32, #tpu.memory_space<hbm>>
    %dma_start3A_49 = arith.constant 2560 : i32
    %dma_start3A_50 = tpu.memref_slice %arg6[%dma_start3A_49] : memref<10752xi32, #tpu.memory_space<vmem>> -> memref<512xi32, #tpu.memory_space<vmem>>
    %dma_start3A_51 = tpu.memref_slice %arg4[%dma_start3A_44, %mul3A_2] : memref<20x16384xi32, #tpu.memory_space<hbm>> -> memref<1x512xi32, #tpu.memory_space<hbm>>
    %dma_start3A_52 = tpu.memref_squeeze %dma_start3A_51 : memref<1x512xi32, #tpu.memory_space<hbm>> -> memref<512xi32, #tpu.memory_space<hbm>>
    tpu.enqueue_dma source(%dma_start3A_52 : memref<512xi32, #tpu.memory_space<hbm>>) target(%dma_start3A_50 : memref<512xi32, #tpu.memory_space<vmem>>) target_semaphore(%arg9 : memref<!tpu.dma_semaphore, #tpu.memory_space<semaphore_mem>>)
    %dma_start3A_53 = arith.constant 5 : i32
    %dma_start3A_54 = arith.constant 3072 : i32
    %dma_start3A_55 = tpu.memref_slice %arg6[%dma_start3A_54] : memref<10752xi32, #tpu.memory_space<vmem>> -> memref<512xi32, #tpu.memory_space<vmem>>
    %dma_start3A_56 = tpu.memref_slice %arg4[%dma_start3A_53, %mul3A_2] : memref<20x16384xi32, #tpu.memory_space<hbm>> -> memref<1x512xi32, #tpu.memory_space<hbm>>
    %dma_start3A_57 = tpu.memref_squeeze %dma_start3A_56 : memref<1x512xi32, #tpu.memory_space<hbm>> -> memref<512xi32, #tpu.memory_space<hbm>>
    %dma_start3A_58 = arith.constant 3072 : i32
    %dma_start3A_59 = tpu.memref_slice %arg6[%dma_start3A_58] : memref<10752xi32, #tpu.memory_space<vmem>> -> memref<512xi32, #tpu.memory_space<vmem>>
    %dma_start3A_60 = tpu.memref_slice %arg4[%dma_start3A_53, %mul3A_2] : memref<20x16384xi32, #tpu.memory_space<hbm>> -> memref<1x512xi32, #tpu.memory_space<hbm>>
    %dma_start3A_61 = tpu.memref_squeeze %dma_start3A_60 : memref<1x512xi32, #tpu.memory_space<hbm>> -> memref<512xi32, #tpu.memory_space<hbm>>
    tpu.enqueue_dma source(%dma_start3A_61 : memref<512xi32, #tpu.memory_space<hbm>>) target(%dma_start3A_59 : memref<512xi32, #tpu.memory_space<vmem>>) target_semaphore(%arg9 : memref<!tpu.dma_semaphore, #tpu.memory_space<semaphore_mem>>)
    %dma_start3A_62 = arith.constant 6 : i32
    %dma_start3A_63 = arith.constant 3584 : i32
    %dma_start3A_64 = tpu.memref_slice %arg6[%dma_start3A_63] : memref<10752xi32, #tpu.memory_space<vmem>> -> memref<512xi32, #tpu.memory_space<vmem>>
    %dma_start3A_65 = tpu.memref_slice %arg4[%dma_start3A_62, %mul3A_2] : memref<20x16384xi32, #tpu.memory_space<hbm>> -> memref<1x512xi32, #tpu.memory_space<hbm>>
    %dma_start3A_66 = tpu.memref_squeeze %dma_start3A_65 : memref<1x512xi32, #tpu.memory_space<hbm>> -> memref<512xi32, #tpu.memory_space<hbm>>
    %dma_start3A_67 = arith.constant 3584 : i32
    %dma_start3A_68 = tpu.memref_slice %arg6[%dma_start3A_67] : memref<10752xi32, #tpu.memory_space<vmem>> -> memref<512xi32, #tpu.memory_space<vmem>>
    %dma_start3A_69 = tpu.memref_slice %arg4[%dma_start3A_62, %mul3A_2] : memref<20x16384xi32, #tpu.memory_space<hbm>> -> memref<1x512xi32, #tpu.memory_space<hbm>>
    %dma_start3A_70 = tpu.memref_squeeze %dma_start3A_69 : memref<1x512xi32, #tpu.memory_space<hbm>> -> memref<512xi32, #tpu.memory_space<hbm>>
    tpu.enqueue_dma source(%dma_start3A_70 : memref<512xi32, #tpu.memory_space<hbm>>) target(%dma_start3A_68 : memref<512xi32, #tpu.memory_space<vmem>>) target_semaphore(%arg9 : memref<!tpu.dma_semaphore, #tpu.memory_space<semaphore_mem>>)
    %dma_start3A_71 = arith.constant 7 : i32
    %dma_start3A_72 = arith.constant 4096 : i32
    %dma_start3A_73 = tpu.memref_slice %arg6[%dma_start3A_72] : memref<10752xi32, #tpu.memory_space<vmem>> -> memref<512xi32, #tpu.memory_space<vmem>>
    %dma_start3A_74 = tpu.memref_slice %arg4[%dma_start3A_71, %mul3A_2] : memref<20x16384xi32, #tpu.memory_space<hbm>> -> memref<1x512xi32, #tpu.memory_space<hbm>>
    %dma_start3A_75 = tpu.memref_squeeze %dma_start3A_74 : memref<1x512xi32, #tpu.memory_space<hbm>> -> memref<512xi32, #tpu.memory_space<hbm>>
    %dma_start3A_76 = arith.constant 4096 : i32
    %dma_start3A_77 = tpu.memref_slice %arg6[%dma_start3A_76] : memref<10752xi32, #tpu.memory_space<vmem>> -> memref<512xi32, #tpu.memory_space<vmem>>
    %dma_start3A_78 = tpu.memref_slice %arg4[%dma_start3A_71, %mul3A_2] : memref<20x16384xi32, #tpu.memory_space<hbm>> -> memref<1x512xi32, #tpu.memory_space<hbm>>
    %dma_start3A_79 = tpu.memref_squeeze %dma_start3A_78 : memref<1x512xi32, #tpu.memory_space<hbm>> -> memref<512xi32, #tpu.memory_space<hbm>>
    tpu.enqueue_dma source(%dma_start3A_79 : memref<512xi32, #tpu.memory_space<hbm>>) target(%dma_start3A_77 : memref<512xi32, #tpu.memory_space<vmem>>) target_semaphore(%arg9 : memref<!tpu.dma_semaphore, #tpu.memory_space<semaphore_mem>>)
    %dma_start3A_80 = arith.constant 8 : i32
    %dma_start3A_81 = arith.constant 4608 : i32
    %dma_start3A_82 = tpu.memref_slice %arg6[%dma_start3A_81] : memref<10752xi32, #tpu.memory_space<vmem>> -> memref<512xi32, #tpu.memory_space<vmem>>
    %dma_start3A_83 = tpu.memref_slice %arg4[%dma_start3A_80, %mul3A_2] : memref<20x16384xi32, #tpu.memory_space<hbm>> -> memref<1x512xi32, #tpu.memory_space<hbm>>
    %dma_start3A_84 = tpu.memref_squeeze %dma_start3A_83 : memref<1x512xi32, #tpu.memory_space<hbm>> -> memref<512xi32, #tpu.memory_space<hbm>>
    %dma_start3A_85 = arith.constant 4608 : i32
    %dma_start3A_86 = tpu.memref_slice %arg6[%dma_start3A_85] : memref<10752xi32, #tpu.memory_space<vmem>> -> memref<512xi32, #tpu.memory_space<vmem>>
    %dma_start3A_87 = tpu.memref_slice %arg4[%dma_start3A_80, %mul3A_2] : memref<20x16384xi32, #tpu.memory_space<hbm>> -> memref<1x512xi32, #tpu.memory_space<hbm>>
    %dma_start3A_88 = tpu.memref_squeeze %dma_start3A_87 : memref<1x512xi32, #tpu.memory_space<hbm>> -> memref<512xi32, #tpu.memory_space<hbm>>
    tpu.enqueue_dma source(%dma_start3A_88 : memref<512xi32, #tpu.memory_space<hbm>>) target(%dma_start3A_86 : memref<512xi32, #tpu.memory_space<vmem>>) target_semaphore(%arg9 : memref<!tpu.dma_semaphore, #tpu.memory_space<semaphore_mem>>)
    %dma_start3A_89 = arith.constant 9 : i32
    %dma_start3A_90 = arith.constant 5120 : i32
    %dma_start3A_91 = tpu.memref_slice %arg6[%dma_start3A_90] : memref<10752xi32, #tpu.memory_space<vmem>> -> memref<512xi32, #tpu.memory_space<vmem>>
    %dma_start3A_92 = tpu.memref_slice %arg4[%dma_start3A_89, %mul3A_2] : memref<20x16384xi32, #tpu.memory_space<hbm>> -> memref<1x512xi32, #tpu.memory_space<hbm>>
    %dma_start3A_93 = tpu.memref_squeeze %dma_start3A_92 : memref<1x512xi32, #tpu.memory_space<hbm>> -> memref<512xi32, #tpu.memory_space<hbm>>
    %dma_start3A_94 = arith.constant 5120 : i32
    %dma_start3A_95 = tpu.memref_slice %arg6[%dma_start3A_94] : memref<10752xi32, #tpu.memory_space<vmem>> -> memref<512xi32, #tpu.memory_space<vmem>>
    %dma_start3A_96 = tpu.memref_slice %arg4[%dma_start3A_89, %mul3A_2] : memref<20x16384xi32, #tpu.memory_space<hbm>> -> memref<1x512xi32, #tpu.memory_space<hbm>>
    %dma_start3A_97 = tpu.memref_squeeze %dma_start3A_96 : memref<1x512xi32, #tpu.memory_space<hbm>> -> memref<512xi32, #tpu.memory_space<hbm>>
    tpu.enqueue_dma source(%dma_start3A_97 : memref<512xi32, #tpu.memory_space<hbm>>) target(%dma_start3A_95 : memref<512xi32, #tpu.memory_space<vmem>>) target_semaphore(%arg9 : memref<!tpu.dma_semaphore, #tpu.memory_space<semaphore_mem>>)
    %dma_start3A_98 = arith.constant 10 : i32
    %dma_start3A_99 = arith.constant 5632 : i32
    %dma_start3A_100 = tpu.memref_slice %arg6[%dma_start3A_99] : memref<10752xi32, #tpu.memory_space<vmem>> -> memref<512xi32, #tpu.memory_space<vmem>>
    %dma_start3A_101 = tpu.memref_slice %arg4[%dma_start3A_98, %mul3A_2] : memref<20x16384xi32, #tpu.memory_space<hbm>> -> memref<1x512xi32, #tpu.memory_space<hbm>>
    %dma_start3A_102 = tpu.memref_squeeze %dma_start3A_101 : memref<1x512xi32, #tpu.memory_space<hbm>> -> memref<512xi32, #tpu.memory_space<hbm>>
    %dma_start3A_103 = arith.constant 5632 : i32
    %dma_start3A_104 = tpu.memref_slice %arg6[%dma_start3A_103] : memref<10752xi32, #tpu.memory_space<vmem>> -> memref<512xi32, #tpu.memory_space<vmem>>
    %dma_start3A_105 = tpu.memref_slice %arg4[%dma_start3A_98, %mul3A_2] : memref<20x16384xi32, #tpu.memory_space<hbm>> -> memref<1x512xi32, #tpu.memory_space<hbm>>
    %dma_start3A_106 = tpu.memref_squeeze %dma_start3A_105 : memref<1x512xi32, #tpu.memory_space<hbm>> -> memref<512xi32, #tpu.memory_space<hbm>>
    tpu.enqueue_dma source(%dma_start3A_106 : memref<512xi32, #tpu.memory_space<hbm>>) target(%dma_start3A_104 : memref<512xi32, #tpu.memory_space<vmem>>) target_semaphore(%arg9 : memref<!tpu.dma_semaphore, #tpu.memory_space<semaphore_mem>>)
    %dma_start3A_107 = arith.constant 11 : i32
    %dma_start3A_108 = arith.constant 6144 : i32
    %dma_start3A_109 = tpu.memref_slice %arg6[%dma_start3A_108] : memref<10752xi32, #tpu.memory_space<vmem>> -> memref<512xi32, #tpu.memory_space<vmem>>
    %dma_start3A_110 = tpu.memref_slice %arg4[%dma_start3A_107, %mul3A_2] : memref<20x16384xi32, #tpu.memory_space<hbm>> -> memref<1x512xi32, #tpu.memory_space<hbm>>
    %dma_start3A_111 = tpu.memref_squeeze %dma_start3A_110 : memref<1x512xi32, #tpu.memory_space<hbm>> -> memref<512xi32, #tpu.memory_space<hbm>>
    %dma_start3A_112 = arith.constant 6144 : i32
    %dma_start3A_113 = tpu.memref_slice %arg6[%dma_start3A_112] : memref<10752xi32, #tpu.memory_space<vmem>> -> memref<512xi32, #tpu.memory_space<vmem>>
    %dma_start3A_114 = tpu.memref_slice %arg4[%dma_start3A_107, %mul3A_2] : memref<20x16384xi32, #tpu.memory_space<hbm>> -> memref<1x512xi32, #tpu.memory_space<hbm>>
    %dma_start3A_115 = tpu.memref_squeeze %dma_start3A_114 : memref<1x512xi32, #tpu.memory_space<hbm>> -> memref<512xi32, #tpu.memory_space<hbm>>
    tpu.enqueue_dma source(%dma_start3A_115 : memref<512xi32, #tpu.memory_space<hbm>>) target(%dma_start3A_113 : memref<512xi32, #tpu.memory_space<vmem>>) target_semaphore(%arg9 : memref<!tpu.dma_semaphore, #tpu.memory_space<semaphore_mem>>)
    %dma_start3A_116 = arith.constant 12 : i32
    %dma_start3A_117 = arith.constant 6656 : i32
    %dma_start3A_118 = tpu.memref_slice %arg6[%dma_start3A_117] : memref<10752xi32, #tpu.memory_space<vmem>> -> memref<512xi32, #tpu.memory_space<vmem>>
    %dma_start3A_119 = tpu.memref_slice %arg4[%dma_start3A_116, %mul3A_2] : memref<20x16384xi32, #tpu.memory_space<hbm>> -> memref<1x512xi32, #tpu.memory_space<hbm>>
    %dma_start3A_120 = tpu.memref_squeeze %dma_start3A_119 : memref<1x512xi32, #tpu.memory_space<hbm>> -> memref<512xi32, #tpu.memory_space<hbm>>
    %dma_start3A_121 = arith.constant 6656 : i32
    %dma_start3A_122 = tpu.memref_slice %arg6[%dma_start3A_121] : memref<10752xi32, #tpu.memory_space<vmem>> -> memref<512xi32, #tpu.memory_space<vmem>>
    %dma_start3A_123 = tpu.memref_slice %arg4[%dma_start3A_116, %mul3A_2] : memref<20x16384xi32, #tpu.memory_space<hbm>> -> memref<1x512xi32, #tpu.memory_space<hbm>>
    %dma_start3A_124 = tpu.memref_squeeze %dma_start3A_123 : memref<1x512xi32, #tpu.memory_space<hbm>> -> memref<512xi32, #tpu.memory_space<hbm>>
    tpu.enqueue_dma source(%dma_start3A_124 : memref<512xi32, #tpu.memory_space<hbm>>) target(%dma_start3A_122 : memref<512xi32, #tpu.memory_space<vmem>>) target_semaphore(%arg9 : memref<!tpu.dma_semaphore, #tpu.memory_space<semaphore_mem>>)
    %dma_start3A_125 = arith.constant 13 : i32
    %dma_start3A_126 = arith.constant 7168 : i32
    %dma_start3A_127 = tpu.memref_slice %arg6[%dma_start3A_126] : memref<10752xi32, #tpu.memory_space<vmem>> -> memref<512xi32, #tpu.memory_space<vmem>>
    %dma_start3A_128 = tpu.memref_slice %arg4[%dma_start3A_125, %mul3A_2] : memref<20x16384xi32, #tpu.memory_space<hbm>> -> memref<1x512xi32, #tpu.memory_space<hbm>>
    %dma_start3A_129 = tpu.memref_squeeze %dma_start3A_128 : memref<1x512xi32, #tpu.memory_space<hbm>> -> memref<512xi32, #tpu.memory_space<hbm>>
    %dma_start3A_130 = arith.constant 7168 : i32
    %dma_start3A_131 = tpu.memref_slice %arg6[%dma_start3A_130] : memref<10752xi32, #tpu.memory_space<vmem>> -> memref<512xi32, #tpu.memory_space<vmem>>
    %dma_start3A_132 = tpu.memref_slice %arg4[%dma_start3A_125, %mul3A_2] : memref<20x16384xi32, #tpu.memory_space<hbm>> -> memref<1x512xi32, #tpu.memory_space<hbm>>
    %dma_start3A_133 = tpu.memref_squeeze %dma_start3A_132 : memref<1x512xi32, #tpu.memory_space<hbm>> -> memref<512xi32, #tpu.memory_space<hbm>>
    tpu.enqueue_dma source(%dma_start3A_133 : memref<512xi32, #tpu.memory_space<hbm>>) target(%dma_start3A_131 : memref<512xi32, #tpu.memory_space<vmem>>) target_semaphore(%arg9 : memref<!tpu.dma_semaphore, #tpu.memory_space<semaphore_mem>>)
    %dma_start3A_134 = arith.constant 14 : i32
    %dma_start3A_135 = arith.constant 7680 : i32
    %dma_start3A_136 = tpu.memref_slice %arg6[%dma_start3A_135] : memref<10752xi32, #tpu.memory_space<vmem>> -> memref<512xi32, #tpu.memory_space<vmem>>
    %dma_start3A_137 = tpu.memref_slice %arg4[%dma_start3A_134, %mul3A_2] : memref<20x16384xi32, #tpu.memory_space<hbm>> -> memref<1x512xi32, #tpu.memory_space<hbm>>
    %dma_start3A_138 = tpu.memref_squeeze %dma_start3A_137 : memref<1x512xi32, #tpu.memory_space<hbm>> -> memref<512xi32, #tpu.memory_space<hbm>>
    %dma_start3A_139 = arith.constant 7680 : i32
    %dma_start3A_140 = tpu.memref_slice %arg6[%dma_start3A_139] : memref<10752xi32, #tpu.memory_space<vmem>> -> memref<512xi32, #tpu.memory_space<vmem>>
    %dma_start3A_141 = tpu.memref_slice %arg4[%dma_start3A_134, %mul3A_2] : memref<20x16384xi32, #tpu.memory_space<hbm>> -> memref<1x512xi32, #tpu.memory_space<hbm>>
    %dma_start3A_142 = tpu.memref_squeeze %dma_start3A_141 : memref<1x512xi32, #tpu.memory_space<hbm>> -> memref<512xi32, #tpu.memory_space<hbm>>
    tpu.enqueue_dma source(%dma_start3A_142 : memref<512xi32, #tpu.memory_space<hbm>>) target(%dma_start3A_140 : memref<512xi32, #tpu.memory_space<vmem>>) target_semaphore(%arg9 : memref<!tpu.dma_semaphore, #tpu.memory_space<semaphore_mem>>)
    %dma_start3A_143 = arith.constant 15 : i32
    %dma_start3A_144 = arith.constant 8192 : i32
    %dma_start3A_145 = tpu.memref_slice %arg6[%dma_start3A_144] : memref<10752xi32, #tpu.memory_space<vmem>> -> memref<512xi32, #tpu.memory_space<vmem>>
    %dma_start3A_146 = tpu.memref_slice %arg4[%dma_start3A_143, %mul3A_2] : memref<20x16384xi32, #tpu.memory_space<hbm>> -> memref<1x512xi32, #tpu.memory_space<hbm>>
    %dma_start3A_147 = tpu.memref_squeeze %dma_start3A_146 : memref<1x512xi32, #tpu.memory_space<hbm>> -> memref<512xi32, #tpu.memory_space<hbm>>
    %dma_start3A_148 = arith.constant 8192 : i32
    %dma_start3A_149 = tpu.memref_slice %arg6[%dma_start3A_148] : memref<10752xi32, #tpu.memory_space<vmem>> -> memref<512xi32, #tpu.memory_space<vmem>>
    %dma_start3A_150 = tpu.memref_slice %arg4[%dma_start3A_143, %mul3A_2] : memref<20x16384xi32, #tpu.memory_space<hbm>> -> memref<1x512xi32, #tpu.memory_space<hbm>>
    %dma_start3A_151 = tpu.memref_squeeze %dma_start3A_150 : memref<1x512xi32, #tpu.memory_space<hbm>> -> memref<512xi32, #tpu.memory_space<hbm>>
    tpu.enqueue_dma source(%dma_start3A_151 : memref<512xi32, #tpu.memory_space<hbm>>) target(%dma_start3A_149 : memref<512xi32, #tpu.memory_space<vmem>>) target_semaphore(%arg9 : memref<!tpu.dma_semaphore, #tpu.memory_space<semaphore_mem>>)
    %dma_start3A_152 = arith.constant 16 : i32
    %dma_start3A_153 = arith.constant 8704 : i32
    %dma_start3A_154 = tpu.memref_slice %arg6[%dma_start3A_153] : memref<10752xi32, #tpu.memory_space<vmem>> -> memref<512xi32, #tpu.memory_space<vmem>>
    %dma_start3A_155 = tpu.memref_slice %arg4[%dma_start3A_152, %mul3A_2] : memref<20x16384xi32, #tpu.memory_space<hbm>> -> memref<1x512xi32, #tpu.memory_space<hbm>>
    %dma_start3A_156 = tpu.memref_squeeze %dma_start3A_155 : memref<1x512xi32, #tpu.memory_space<hbm>> -> memref<512xi32, #tpu.memory_space<hbm>>
    %dma_start3A_157 = arith.constant 8704 : i32
    %dma_start3A_158 = tpu.memref_slice %arg6[%dma_start3A_157] : memref<10752xi32, #tpu.memory_space<vmem>> -> memref<512xi32, #tpu.memory_space<vmem>>
    %dma_start3A_159 = tpu.memref_slice %arg4[%dma_start3A_152, %mul3A_2] : memref<20x16384xi32, #tpu.memory_space<hbm>> -> memref<1x512xi32, #tpu.memory_space<hbm>>
    %dma_start3A_160 = tpu.memref_squeeze %dma_start3A_159 : memref<1x512xi32, #tpu.memory_space<hbm>> -> memref<512xi32, #tpu.memory_space<hbm>>
    tpu.enqueue_dma source(%dma_start3A_160 : memref<512xi32, #tpu.memory_space<hbm>>) target(%dma_start3A_158 : memref<512xi32, #tpu.memory_space<vmem>>) target_semaphore(%arg9 : memref<!tpu.dma_semaphore, #tpu.memory_space<semaphore_mem>>)
    %dma_start3A_161 = arith.constant 17 : i32
    %dma_start3A_162 = arith.constant 9216 : i32
    %dma_start3A_163 = tpu.memref_slice %arg6[%dma_start3A_162] : memref<10752xi32, #tpu.memory_space<vmem>> -> memref<512xi32, #tpu.memory_space<vmem>>
    %dma_start3A_164 = tpu.memref_slice %arg4[%dma_start3A_161, %mul3A_2] : memref<20x16384xi32, #tpu.memory_space<hbm>> -> memref<1x512xi32, #tpu.memory_space<hbm>>
    %dma_start3A_165 = tpu.memref_squeeze %dma_start3A_164 : memref<1x512xi32, #tpu.memory_space<hbm>> -> memref<512xi32, #tpu.memory_space<hbm>>
    %dma_start3A_166 = arith.constant 9216 : i32
    %dma_start3A_167 = tpu.memref_slice %arg6[%dma_start3A_166] : memref<10752xi32, #tpu.memory_space<vmem>> -> memref<512xi32, #tpu.memory_space<vmem>>
    %dma_start3A_168 = tpu.memref_slice %arg4[%dma_start3A_161, %mul3A_2] : memref<20x16384xi32, #tpu.memory_space<hbm>> -> memref<1x512xi32, #tpu.memory_space<hbm>>
    %dma_start3A_169 = tpu.memref_squeeze %dma_start3A_168 : memref<1x512xi32, #tpu.memory_space<hbm>> -> memref<512xi32, #tpu.memory_space<hbm>>
    tpu.enqueue_dma source(%dma_start3A_169 : memref<512xi32, #tpu.memory_space<hbm>>) target(%dma_start3A_167 : memref<512xi32, #tpu.memory_space<vmem>>) target_semaphore(%arg9 : memref<!tpu.dma_semaphore, #tpu.memory_space<semaphore_mem>>)
    %dma_start3A_170 = arith.constant 18 : i32
    %dma_start3A_171 = arith.constant 9728 : i32
    %dma_start3A_172 = tpu.memref_slice %arg6[%dma_start3A_171] : memref<10752xi32, #tpu.memory_space<vmem>> -> memref<512xi32, #tpu.memory_space<vmem>>
    %dma_start3A_173 = tpu.memref_slice %arg4[%dma_start3A_170, %mul3A_2] : memref<20x16384xi32, #tpu.memory_space<hbm>> -> memref<1x512xi32, #tpu.memory_space<hbm>>
    %dma_start3A_174 = tpu.memref_squeeze %dma_start3A_173 : memref<1x512xi32, #tpu.memory_space<hbm>> -> memref<512xi32, #tpu.memory_space<hbm>>
    %dma_start3A_175 = arith.constant 9728 : i32
    %dma_start3A_176 = tpu.memref_slice %arg6[%dma_start3A_175] : memref<10752xi32, #tpu.memory_space<vmem>> -> memref<512xi32, #tpu.memory_space<vmem>>
    %dma_start3A_177 = tpu.memref_slice %arg4[%dma_start3A_170, %mul3A_2] : memref<20x16384xi32, #tpu.memory_space<hbm>> -> memref<1x512xi32, #tpu.memory_space<hbm>>
    %dma_start3A_178 = tpu.memref_squeeze %dma_start3A_177 : memref<1x512xi32, #tpu.memory_space<hbm>> -> memref<512xi32, #tpu.memory_space<hbm>>
    tpu.enqueue_dma source(%dma_start3A_178 : memref<512xi32, #tpu.memory_space<hbm>>) target(%dma_start3A_176 : memref<512xi32, #tpu.memory_space<vmem>>) target_semaphore(%arg9 : memref<!tpu.dma_semaphore, #tpu.memory_space<semaphore_mem>>)
    %dma_start3A_179 = arith.constant 19 : i32
    %dma_start3A_180 = arith.constant 10240 : i32
    %dma_start3A_181 = tpu.memref_slice %arg6[%dma_start3A_180] : memref<10752xi32, #tpu.memory_space<vmem>> -> memref<512xi32, #tpu.memory_space<vmem>>
    %dma_start3A_182 = tpu.memref_slice %arg4[%dma_start3A_179, %mul3A_2] : memref<20x16384xi32, #tpu.memory_space<hbm>> -> memref<1x512xi32, #tpu.memory_space<hbm>>
    %dma_start3A_183 = tpu.memref_squeeze %dma_start3A_182 : memref<1x512xi32, #tpu.memory_space<hbm>> -> memref<512xi32, #tpu.memory_space<hbm>>
    %dma_start3A_184 = arith.constant 10240 : i32
    %dma_start3A_185 = tpu.memref_slice %arg6[%dma_start3A_184] : memref<10752xi32, #tpu.memory_space<vmem>> -> memref<512xi32, #tpu.memory_space<vmem>>
    %dma_start3A_186 = tpu.memref_slice %arg4[%dma_start3A_179, %mul3A_2] : memref<20x16384xi32, #tpu.memory_space<hbm>> -> memref<1x512xi32, #tpu.memory_space<hbm>>
    %dma_start3A_187 = tpu.memref_squeeze %dma_start3A_186 : memref<1x512xi32, #tpu.memory_space<hbm>> -> memref<512xi32, #tpu.memory_space<hbm>>
    tpu.enqueue_dma source(%dma_start3A_187 : memref<512xi32, #tpu.memory_space<hbm>>) target(%dma_start3A_185 : memref<512xi32, #tpu.memory_space<vmem>>) target_semaphore(%arg9 : memref<!tpu.dma_semaphore, #tpu.memory_space<semaphore_mem>>)
    %dma_wait3A = arith.constant 0 : i32
    %dma_wait3A_188 = tpu.memref_slice %arg6[%dma_wait3A] : memref<10752xi32, #tpu.memory_space<vmem>> -> memref<512xi32, #tpu.memory_space<vmem>>
    %dma_wait3A_189 = tpu.memref_slice %arg3[%mul3A_2] : memref<16384xi32, #tpu.memory_space<hbm>> -> memref<512xi32, #tpu.memory_space<hbm>>
    %dma_wait3A_190 = arith.constant 0 : i32
    %dma_wait3A_191 = tpu.memref_slice %arg6[%dma_wait3A_190] : memref<10752xi32, #tpu.memory_space<vmem>> -> memref<512xi32, #tpu.memory_space<vmem>>
    %dma_wait3A_192 = tpu.memref_slice %arg3[%mul3A_2] : memref<16384xi32, #tpu.memory_space<hbm>> -> memref<512xi32, #tpu.memory_space<hbm>>
    tpu.wait_dma2 semaphore(%arg9 : memref<!tpu.dma_semaphore, #tpu.memory_space<semaphore_mem>>) src(%dma_wait3A_192 : memref<512xi32, #tpu.memory_space<hbm>>) dst(%dma_wait3A_191 : memref<512xi32, #tpu.memory_space<vmem>>)
    %dma_start3A_193 = arith.constant 0 : i32
    %dma_start3A_194 = tpu.memref_slice %arg7[%dma_start3A_193] : memref<10752xf32, #tpu.memory_space<vmem>> -> memref<512xf32, #tpu.memory_space<vmem>>
    %dma_start3A_195 = arith.constant 0 : i32
    %dma_start3A_196 = tpu.memref_slice %arg6[%dma_start3A_195] : memref<10752xi32, #tpu.memory_space<vmem>> -> memref<512xi32, #tpu.memory_space<vmem>>
    %dma_start3A_197 = arith.constant 0 : i32
    %dma_start3A_198 = tpu.memref_slice %arg2[%dma_start3A_197] : memref<1000000xf32, #tpu.memory_space<hbm>> -> memref<1000000xf32, #tpu.memory_space<hbm>>
    tpu.enqueue_indirect_dma source(%dma_start3A_198 : memref<1000000xf32, #tpu.memory_space<hbm>>) target(%dma_start3A_194 : memref<512xf32, #tpu.memory_space<vmem>>) offsets(%dma_start3A_196 : memref<512xi32, #tpu.memory_space<vmem>>) semaphore(%arg10 : memref<!tpu.dma_semaphore, #tpu.memory_space<semaphore_mem>>)
    %dma_wait3A_199 = arith.constant 0 : i32
    %dma_wait3A_200 = arith.constant 512 : i32
    %dma_wait3A_201 = tpu.memref_slice %arg6[%dma_wait3A_200] : memref<10752xi32, #tpu.memory_space<vmem>> -> memref<512xi32, #tpu.memory_space<vmem>>
    %dma_wait3A_202 = tpu.memref_slice %arg4[%dma_wait3A_199, %mul3A_2] : memref<20x16384xi32, #tpu.memory_space<hbm>> -> memref<1x512xi32, #tpu.memory_space<hbm>>
    %dma_wait3A_203 = tpu.memref_squeeze %dma_wait3A_202 : memref<1x512xi32, #tpu.memory_space<hbm>> -> memref<512xi32, #tpu.memory_space<hbm>>
    %dma_wait3A_204 = arith.constant 512 : i32
    %dma_wait3A_205 = tpu.memref_slice %arg6[%dma_wait3A_204] : memref<10752xi32, #tpu.memory_space<vmem>> -> memref<512xi32, #tpu.memory_space<vmem>>
    %dma_wait3A_206 = tpu.memref_slice %arg4[%dma_wait3A_199, %mul3A_2] : memref<20x16384xi32, #tpu.memory_space<hbm>> -> memref<1x512xi32, #tpu.memory_space<hbm>>
    %dma_wait3A_207 = tpu.memref_squeeze %dma_wait3A_206 : memref<1x512xi32, #tpu.memory_space<hbm>> -> memref<512xi32, #tpu.memory_space<hbm>>
    tpu.wait_dma2 semaphore(%arg9 : memref<!tpu.dma_semaphore, #tpu.memory_space<semaphore_mem>>) src(%dma_wait3A_207 : memref<512xi32, #tpu.memory_space<hbm>>) dst(%dma_wait3A_205 : memref<512xi32, #tpu.memory_space<vmem>>)
    %dma_start3A_208 = arith.constant 512 : i32
    %dma_start3A_209 = tpu.memref_slice %arg7[%dma_start3A_208] : memref<10752xf32, #tpu.memory_space<vmem>> -> memref<512xf32, #tpu.memory_space<vmem>>
    %dma_start3A_210 = arith.constant 512 : i32
    %dma_start3A_211 = tpu.memref_slice %arg6[%dma_start3A_210] : memref<10752xi32, #tpu.memory_space<vmem>> -> memref<512xi32, #tpu.memory_space<vmem>>
    %dma_start3A_212 = arith.constant 0 : i32
    %dma_start3A_213 = tpu.memref_slice %arg2[%dma_start3A_212] : memref<1000000xf32, #tpu.memory_space<hbm>> -> memref<1000000xf32, #tpu.memory_space<hbm>>
    tpu.enqueue_indirect_dma source(%dma_start3A_213 : memref<1000000xf32, #tpu.memory_space<hbm>>) target(%dma_start3A_209 : memref<512xf32, #tpu.memory_space<vmem>>) offsets(%dma_start3A_211 : memref<512xi32, #tpu.memory_space<vmem>>) semaphore(%arg10 : memref<!tpu.dma_semaphore, #tpu.memory_space<semaphore_mem>>)
    %dma_wait3A_214 = arith.constant 1 : i32
    %dma_wait3A_215 = arith.constant 1024 : i32
    %dma_wait3A_216 = tpu.memref_slice %arg6[%dma_wait3A_215] : memref<10752xi32, #tpu.memory_space<vmem>> -> memref<512xi32, #tpu.memory_space<vmem>>
    %dma_wait3A_217 = tpu.memref_slice %arg4[%dma_wait3A_214, %mul3A_2] : memref<20x16384xi32, #tpu.memory_space<hbm>> -> memref<1x512xi32, #tpu.memory_space<hbm>>
    %dma_wait3A_218 = tpu.memref_squeeze %dma_wait3A_217 : memref<1x512xi32, #tpu.memory_space<hbm>> -> memref<512xi32, #tpu.memory_space<hbm>>
    %dma_wait3A_219 = arith.constant 1024 : i32
    %dma_wait3A_220 = tpu.memref_slice %arg6[%dma_wait3A_219] : memref<10752xi32, #tpu.memory_space<vmem>> -> memref<512xi32, #tpu.memory_space<vmem>>
    %dma_wait3A_221 = tpu.memref_slice %arg4[%dma_wait3A_214, %mul3A_2] : memref<20x16384xi32, #tpu.memory_space<hbm>> -> memref<1x512xi32, #tpu.memory_space<hbm>>
    %dma_wait3A_222 = tpu.memref_squeeze %dma_wait3A_221 : memref<1x512xi32, #tpu.memory_space<hbm>> -> memref<512xi32, #tpu.memory_space<hbm>>
    tpu.wait_dma2 semaphore(%arg9 : memref<!tpu.dma_semaphore, #tpu.memory_space<semaphore_mem>>) src(%dma_wait3A_222 : memref<512xi32, #tpu.memory_space<hbm>>) dst(%dma_wait3A_220 : memref<512xi32, #tpu.memory_space<vmem>>)
    %dma_start3A_223 = arith.constant 1024 : i32
    %dma_start3A_224 = tpu.memref_slice %arg7[%dma_start3A_223] : memref<10752xf32, #tpu.memory_space<vmem>> -> memref<512xf32, #tpu.memory_space<vmem>>
    %dma_start3A_225 = arith.constant 1024 : i32
    %dma_start3A_226 = tpu.memref_slice %arg6[%dma_start3A_225] : memref<10752xi32, #tpu.memory_space<vmem>> -> memref<512xi32, #tpu.memory_space<vmem>>
    %dma_start3A_227 = arith.constant 0 : i32
    %dma_start3A_228 = tpu.memref_slice %arg2[%dma_start3A_227] : memref<1000000xf32, #tpu.memory_space<hbm>> -> memref<1000000xf32, #tpu.memory_space<hbm>>
    tpu.enqueue_indirect_dma source(%dma_start3A_228 : memref<1000000xf32, #tpu.memory_space<hbm>>) target(%dma_start3A_224 : memref<512xf32, #tpu.memory_space<vmem>>) offsets(%dma_start3A_226 : memref<512xi32, #tpu.memory_space<vmem>>) semaphore(%arg10 : memref<!tpu.dma_semaphore, #tpu.memory_space<semaphore_mem>>)
    %dma_wait3A_229 = arith.constant 2 : i32
    %dma_wait3A_230 = arith.constant 1536 : i32
    %dma_wait3A_231 = tpu.memref_slice %arg6[%dma_wait3A_230] : memref<10752xi32, #tpu.memory_space<vmem>> -> memref<512xi32, #tpu.memory_space<vmem>>
    %dma_wait3A_232 = tpu.memref_slice %arg4[%dma_wait3A_229, %mul3A_2] : memref<20x16384xi32, #tpu.memory_space<hbm>> -> memref<1x512xi32, #tpu.memory_space<hbm>>
    %dma_wait3A_233 = tpu.memref_squeeze %dma_wait3A_232 : memref<1x512xi32, #tpu.memory_space<hbm>> -> memref<512xi32, #tpu.memory_space<hbm>>
    %dma_wait3A_234 = arith.constant 1536 : i32
    %dma_wait3A_235 = tpu.memref_slice %arg6[%dma_wait3A_234] : memref<10752xi32, #tpu.memory_space<vmem>> -> memref<512xi32, #tpu.memory_space<vmem>>
    %dma_wait3A_236 = tpu.memref_slice %arg4[%dma_wait3A_229, %mul3A_2] : memref<20x16384xi32, #tpu.memory_space<hbm>> -> memref<1x512xi32, #tpu.memory_space<hbm>>
    %dma_wait3A_237 = tpu.memref_squeeze %dma_wait3A_236 : memref<1x512xi32, #tpu.memory_space<hbm>> -> memref<512xi32, #tpu.memory_space<hbm>>
    tpu.wait_dma2 semaphore(%arg9 : memref<!tpu.dma_semaphore, #tpu.memory_space<semaphore_mem>>) src(%dma_wait3A_237 : memref<512xi32, #tpu.memory_space<hbm>>) dst(%dma_wait3A_235 : memref<512xi32, #tpu.memory_space<vmem>>)
    %dma_start3A_238 = arith.constant 1536 : i32
    %dma_start3A_239 = tpu.memref_slice %arg7[%dma_start3A_238] : memref<10752xf32, #tpu.memory_space<vmem>> -> memref<512xf32, #tpu.memory_space<vmem>>
    %dma_start3A_240 = arith.constant 1536 : i32
    %dma_start3A_241 = tpu.memref_slice %arg6[%dma_start3A_240] : memref<10752xi32, #tpu.memory_space<vmem>> -> memref<512xi32, #tpu.memory_space<vmem>>
    %dma_start3A_242 = arith.constant 0 : i32
    %dma_start3A_243 = tpu.memref_slice %arg2[%dma_start3A_242] : memref<1000000xf32, #tpu.memory_space<hbm>> -> memref<1000000xf32, #tpu.memory_space<hbm>>
    tpu.enqueue_indirect_dma source(%dma_start3A_243 : memref<1000000xf32, #tpu.memory_space<hbm>>) target(%dma_start3A_239 : memref<512xf32, #tpu.memory_space<vmem>>) offsets(%dma_start3A_241 : memref<512xi32, #tpu.memory_space<vmem>>) semaphore(%arg10 : memref<!tpu.dma_semaphore, #tpu.memory_space<semaphore_mem>>)
    %dma_wait3A_244 = arith.constant 3 : i32
    %dma_wait3A_245 = arith.constant 2048 : i32
    %dma_wait3A_246 = tpu.memref_slice %arg6[%dma_wait3A_245] : memref<10752xi32, #tpu.memory_space<vmem>> -> memref<512xi32, #tpu.memory_space<vmem>>
    %dma_wait3A_247 = tpu.memref_slice %arg4[%dma_wait3A_244, %mul3A_2] : memref<20x16384xi32, #tpu.memory_space<hbm>> -> memref<1x512xi32, #tpu.memory_space<hbm>>
    %dma_wait3A_248 = tpu.memref_squeeze %dma_wait3A_247 : memref<1x512xi32, #tpu.memory_space<hbm>> -> memref<512xi32, #tpu.memory_space<hbm>>
    %dma_wait3A_249 = arith.constant 2048 : i32
    %dma_wait3A_250 = tpu.memref_slice %arg6[%dma_wait3A_249] : memref<10752xi32, #tpu.memory_space<vmem>> -> memref<512xi32, #tpu.memory_space<vmem>>
    %dma_wait3A_251 = tpu.memref_slice %arg4[%dma_wait3A_244, %mul3A_2] : memref<20x16384xi32, #tpu.memory_space<hbm>> -> memref<1x512xi32, #tpu.memory_space<hbm>>
    %dma_wait3A_252 = tpu.memref_squeeze %dma_wait3A_251 : memref<1x512xi32, #tpu.memory_space<hbm>> -> memref<512xi32, #tpu.memory_space<hbm>>
    tpu.wait_dma2 semaphore(%arg9 : memref<!tpu.dma_semaphore, #tpu.memory_space<semaphore_mem>>) src(%dma_wait3A_252 : memref<512xi32, #tpu.memory_space<hbm>>) dst(%dma_wait3A_250 : memref<512xi32, #tpu.memory_space<vmem>>)
    %dma_start3A_253 = arith.constant 2048 : i32
    %dma_start3A_254 = tpu.memref_slice %arg7[%dma_start3A_253] : memref<10752xf32, #tpu.memory_space<vmem>> -> memref<512xf32, #tpu.memory_space<vmem>>
    %dma_start3A_255 = arith.constant 2048 : i32
    %dma_start3A_256 = tpu.memref_slice %arg6[%dma_start3A_255] : memref<10752xi32, #tpu.memory_space<vmem>> -> memref<512xi32, #tpu.memory_space<vmem>>
    %dma_start3A_257 = arith.constant 0 : i32
    %dma_start3A_258 = tpu.memref_slice %arg2[%dma_start3A_257] : memref<1000000xf32, #tpu.memory_space<hbm>> -> memref<1000000xf32, #tpu.memory_space<hbm>>
    tpu.enqueue_indirect_dma source(%dma_start3A_258 : memref<1000000xf32, #tpu.memory_space<hbm>>) target(%dma_start3A_254 : memref<512xf32, #tpu.memory_space<vmem>>) offsets(%dma_start3A_256 : memref<512xi32, #tpu.memory_space<vmem>>) semaphore(%arg10 : memref<!tpu.dma_semaphore, #tpu.memory_space<semaphore_mem>>)
    %dma_wait3A_259 = arith.constant 4 : i32
    %dma_wait3A_260 = arith.constant 2560 : i32
    %dma_wait3A_261 = tpu.memref_slice %arg6[%dma_wait3A_260] : memref<10752xi32, #tpu.memory_space<vmem>> -> memref<512xi32, #tpu.memory_space<vmem>>
    %dma_wait3A_262 = tpu.memref_slice %arg4[%dma_wait3A_259, %mul3A_2] : memref<20x16384xi32, #tpu.memory_space<hbm>> -> memref<1x512xi32, #tpu.memory_space<hbm>>
    %dma_wait3A_263 = tpu.memref_squeeze %dma_wait3A_262 : memref<1x512xi32, #tpu.memory_space<hbm>> -> memref<512xi32, #tpu.memory_space<hbm>>
    %dma_wait3A_264 = arith.constant 2560 : i32
    %dma_wait3A_265 = tpu.memref_slice %arg6[%dma_wait3A_264] : memref<10752xi32, #tpu.memory_space<vmem>> -> memref<512xi32, #tpu.memory_space<vmem>>
    %dma_wait3A_266 = tpu.memref_slice %arg4[%dma_wait3A_259, %mul3A_2] : memref<20x16384xi32, #tpu.memory_space<hbm>> -> memref<1x512xi32, #tpu.memory_space<hbm>>
    %dma_wait3A_267 = tpu.memref_squeeze %dma_wait3A_266 : memref<1x512xi32, #tpu.memory_space<hbm>> -> memref<512xi32, #tpu.memory_space<hbm>>
    tpu.wait_dma2 semaphore(%arg9 : memref<!tpu.dma_semaphore, #tpu.memory_space<semaphore_mem>>) src(%dma_wait3A_267 : memref<512xi32, #tpu.memory_space<hbm>>) dst(%dma_wait3A_265 : memref<512xi32, #tpu.memory_space<vmem>>)
    %dma_start3A_268 = arith.constant 2560 : i32
    %dma_start3A_269 = tpu.memref_slice %arg7[%dma_start3A_268] : memref<10752xf32, #tpu.memory_space<vmem>> -> memref<512xf32, #tpu.memory_space<vmem>>
    %dma_start3A_270 = arith.constant 2560 : i32
    %dma_start3A_271 = tpu.memref_slice %arg6[%dma_start3A_270] : memref<10752xi32, #tpu.memory_space<vmem>> -> memref<512xi32, #tpu.memory_space<vmem>>
    %dma_start3A_272 = arith.constant 0 : i32
    %dma_start3A_273 = tpu.memref_slice %arg2[%dma_start3A_272] : memref<1000000xf32, #tpu.memory_space<hbm>> -> memref<1000000xf32, #tpu.memory_space<hbm>>
    tpu.enqueue_indirect_dma source(%dma_start3A_273 : memref<1000000xf32, #tpu.memory_space<hbm>>) target(%dma_start3A_269 : memref<512xf32, #tpu.memory_space<vmem>>) offsets(%dma_start3A_271 : memref<512xi32, #tpu.memory_space<vmem>>) semaphore(%arg10 : memref<!tpu.dma_semaphore, #tpu.memory_space<semaphore_mem>>)
    %dma_wait3A_274 = arith.constant 5 : i32
    %dma_wait3A_275 = arith.constant 3072 : i32
    %dma_wait3A_276 = tpu.memref_slice %arg6[%dma_wait3A_275] : memref<10752xi32, #tpu.memory_space<vmem>> -> memref<512xi32, #tpu.memory_space<vmem>>
    %dma_wait3A_277 = tpu.memref_slice %arg4[%dma_wait3A_274, %mul3A_2] : memref<20x16384xi32, #tpu.memory_space<hbm>> -> memref<1x512xi32, #tpu.memory_space<hbm>>
    %dma_wait3A_278 = tpu.memref_squeeze %dma_wait3A_277 : memref<1x512xi32, #tpu.memory_space<hbm>> -> memref<512xi32, #tpu.memory_space<hbm>>
    %dma_wait3A_279 = arith.constant 3072 : i32
    %dma_wait3A_280 = tpu.memref_slice %arg6[%dma_wait3A_279] : memref<10752xi32, #tpu.memory_space<vmem>> -> memref<512xi32, #tpu.memory_space<vmem>>
    %dma_wait3A_281 = tpu.memref_slice %arg4[%dma_wait3A_274, %mul3A_2] : memref<20x16384xi32, #tpu.memory_space<hbm>> -> memref<1x512xi32, #tpu.memory_space<hbm>>
    %dma_wait3A_282 = tpu.memref_squeeze %dma_wait3A_281 : memref<1x512xi32, #tpu.memory_space<hbm>> -> memref<512xi32, #tpu.memory_space<hbm>>
    tpu.wait_dma2 semaphore(%arg9 : memref<!tpu.dma_semaphore, #tpu.memory_space<semaphore_mem>>) src(%dma_wait3A_282 : memref<512xi32, #tpu.memory_space<hbm>>) dst(%dma_wait3A_280 : memref<512xi32, #tpu.memory_space<vmem>>)
    %dma_start3A_283 = arith.constant 3072 : i32
    %dma_start3A_284 = tpu.memref_slice %arg7[%dma_start3A_283] : memref<10752xf32, #tpu.memory_space<vmem>> -> memref<512xf32, #tpu.memory_space<vmem>>
    %dma_start3A_285 = arith.constant 3072 : i32
    %dma_start3A_286 = tpu.memref_slice %arg6[%dma_start3A_285] : memref<10752xi32, #tpu.memory_space<vmem>> -> memref<512xi32, #tpu.memory_space<vmem>>
    %dma_start3A_287 = arith.constant 0 : i32
    %dma_start3A_288 = tpu.memref_slice %arg2[%dma_start3A_287] : memref<1000000xf32, #tpu.memory_space<hbm>> -> memref<1000000xf32, #tpu.memory_space<hbm>>
    tpu.enqueue_indirect_dma source(%dma_start3A_288 : memref<1000000xf32, #tpu.memory_space<hbm>>) target(%dma_start3A_284 : memref<512xf32, #tpu.memory_space<vmem>>) offsets(%dma_start3A_286 : memref<512xi32, #tpu.memory_space<vmem>>) semaphore(%arg10 : memref<!tpu.dma_semaphore, #tpu.memory_space<semaphore_mem>>)
    %dma_wait3A_289 = arith.constant 6 : i32
    %dma_wait3A_290 = arith.constant 3584 : i32
    %dma_wait3A_291 = tpu.memref_slice %arg6[%dma_wait3A_290] : memref<10752xi32, #tpu.memory_space<vmem>> -> memref<512xi32, #tpu.memory_space<vmem>>
    %dma_wait3A_292 = tpu.memref_slice %arg4[%dma_wait3A_289, %mul3A_2] : memref<20x16384xi32, #tpu.memory_space<hbm>> -> memref<1x512xi32, #tpu.memory_space<hbm>>
    %dma_wait3A_293 = tpu.memref_squeeze %dma_wait3A_292 : memref<1x512xi32, #tpu.memory_space<hbm>> -> memref<512xi32, #tpu.memory_space<hbm>>
    %dma_wait3A_294 = arith.constant 3584 : i32
    %dma_wait3A_295 = tpu.memref_slice %arg6[%dma_wait3A_294] : memref<10752xi32, #tpu.memory_space<vmem>> -> memref<512xi32, #tpu.memory_space<vmem>>
    %dma_wait3A_296 = tpu.memref_slice %arg4[%dma_wait3A_289, %mul3A_2] : memref<20x16384xi32, #tpu.memory_space<hbm>> -> memref<1x512xi32, #tpu.memory_space<hbm>>
    %dma_wait3A_297 = tpu.memref_squeeze %dma_wait3A_296 : memref<1x512xi32, #tpu.memory_space<hbm>> -> memref<512xi32, #tpu.memory_space<hbm>>
    tpu.wait_dma2 semaphore(%arg9 : memref<!tpu.dma_semaphore, #tpu.memory_space<semaphore_mem>>) src(%dma_wait3A_297 : memref<512xi32, #tpu.memory_space<hbm>>) dst(%dma_wait3A_295 : memref<512xi32, #tpu.memory_space<vmem>>)
    %dma_start3A_298 = arith.constant 3584 : i32
    %dma_start3A_299 = tpu.memref_slice %arg7[%dma_start3A_298] : memref<10752xf32, #tpu.memory_space<vmem>> -> memref<512xf32, #tpu.memory_space<vmem>>
    %dma_start3A_300 = arith.constant 3584 : i32
    %dma_start3A_301 = tpu.memref_slice %arg6[%dma_start3A_300] : memref<10752xi32, #tpu.memory_space<vmem>> -> memref<512xi32, #tpu.memory_space<vmem>>
    %dma_start3A_302 = arith.constant 0 : i32
    %dma_start3A_303 = tpu.memref_slice %arg2[%dma_start3A_302] : memref<1000000xf32, #tpu.memory_space<hbm>> -> memref<1000000xf32, #tpu.memory_space<hbm>>
    tpu.enqueue_indirect_dma source(%dma_start3A_303 : memref<1000000xf32, #tpu.memory_space<hbm>>) target(%dma_start3A_299 : memref<512xf32, #tpu.memory_space<vmem>>) offsets(%dma_start3A_301 : memref<512xi32, #tpu.memory_space<vmem>>) semaphore(%arg10 : memref<!tpu.dma_semaphore, #tpu.memory_space<semaphore_mem>>)
    %dma_wait3A_304 = arith.constant 7 : i32
    %dma_wait3A_305 = arith.constant 4096 : i32
    %dma_wait3A_306 = tpu.memref_slice %arg6[%dma_wait3A_305] : memref<10752xi32, #tpu.memory_space<vmem>> -> memref<512xi32, #tpu.memory_space<vmem>>
    %dma_wait3A_307 = tpu.memref_slice %arg4[%dma_wait3A_304, %mul3A_2] : memref<20x16384xi32, #tpu.memory_space<hbm>> -> memref<1x512xi32, #tpu.memory_space<hbm>>
    %dma_wait3A_308 = tpu.memref_squeeze %dma_wait3A_307 : memref<1x512xi32, #tpu.memory_space<hbm>> -> memref<512xi32, #tpu.memory_space<hbm>>
    %dma_wait3A_309 = arith.constant 4096 : i32
    %dma_wait3A_310 = tpu.memref_slice %arg6[%dma_wait3A_309] : memref<10752xi32, #tpu.memory_space<vmem>> -> memref<512xi32, #tpu.memory_space<vmem>>
    %dma_wait3A_311 = tpu.memref_slice %arg4[%dma_wait3A_304, %mul3A_2] : memref<20x16384xi32, #tpu.memory_space<hbm>> -> memref<1x512xi32, #tpu.memory_space<hbm>>
    %dma_wait3A_312 = tpu.memref_squeeze %dma_wait3A_311 : memref<1x512xi32, #tpu.memory_space<hbm>> -> memref<512xi32, #tpu.memory_space<hbm>>
    tpu.wait_dma2 semaphore(%arg9 : memref<!tpu.dma_semaphore, #tpu.memory_space<semaphore_mem>>) src(%dma_wait3A_312 : memref<512xi32, #tpu.memory_space<hbm>>) dst(%dma_wait3A_310 : memref<512xi32, #tpu.memory_space<vmem>>)
    %dma_start3A_313 = arith.constant 4096 : i32
    %dma_start3A_314 = tpu.memref_slice %arg7[%dma_start3A_313] : memref<10752xf32, #tpu.memory_space<vmem>> -> memref<512xf32, #tpu.memory_space<vmem>>
    %dma_start3A_315 = arith.constant 4096 : i32
    %dma_start3A_316 = tpu.memref_slice %arg6[%dma_start3A_315] : memref<10752xi32, #tpu.memory_space<vmem>> -> memref<512xi32, #tpu.memory_space<vmem>>
    %dma_start3A_317 = arith.constant 0 : i32
    %dma_start3A_318 = tpu.memref_slice %arg2[%dma_start3A_317] : memref<1000000xf32, #tpu.memory_space<hbm>> -> memref<1000000xf32, #tpu.memory_space<hbm>>
    tpu.enqueue_indirect_dma source(%dma_start3A_318 : memref<1000000xf32, #tpu.memory_space<hbm>>) target(%dma_start3A_314 : memref<512xf32, #tpu.memory_space<vmem>>) offsets(%dma_start3A_316 : memref<512xi32, #tpu.memory_space<vmem>>) semaphore(%arg10 : memref<!tpu.dma_semaphore, #tpu.memory_space<semaphore_mem>>)
    %dma_wait3A_319 = arith.constant 8 : i32
    %dma_wait3A_320 = arith.constant 4608 : i32
    %dma_wait3A_321 = tpu.memref_slice %arg6[%dma_wait3A_320] : memref<10752xi32, #tpu.memory_space<vmem>> -> memref<512xi32, #tpu.memory_space<vmem>>
    %dma_wait3A_322 = tpu.memref_slice %arg4[%dma_wait3A_319, %mul3A_2] : memref<20x16384xi32, #tpu.memory_space<hbm>> -> memref<1x512xi32, #tpu.memory_space<hbm>>
    %dma_wait3A_323 = tpu.memref_squeeze %dma_wait3A_322 : memref<1x512xi32, #tpu.memory_space<hbm>> -> memref<512xi32, #tpu.memory_space<hbm>>
    %dma_wait3A_324 = arith.constant 4608 : i32
    %dma_wait3A_325 = tpu.memref_slice %arg6[%dma_wait3A_324] : memref<10752xi32, #tpu.memory_space<vmem>> -> memref<512xi32, #tpu.memory_space<vmem>>
    %dma_wait3A_326 = tpu.memref_slice %arg4[%dma_wait3A_319, %mul3A_2] : memref<20x16384xi32, #tpu.memory_space<hbm>> -> memref<1x512xi32, #tpu.memory_space<hbm>>
    %dma_wait3A_327 = tpu.memref_squeeze %dma_wait3A_326 : memref<1x512xi32, #tpu.memory_space<hbm>> -> memref<512xi32, #tpu.memory_space<hbm>>
    tpu.wait_dma2 semaphore(%arg9 : memref<!tpu.dma_semaphore, #tpu.memory_space<semaphore_mem>>) src(%dma_wait3A_327 : memref<512xi32, #tpu.memory_space<hbm>>) dst(%dma_wait3A_325 : memref<512xi32, #tpu.memory_space<vmem>>)
    %dma_start3A_328 = arith.constant 4608 : i32
    %dma_start3A_329 = tpu.memref_slice %arg7[%dma_start3A_328] : memref<10752xf32, #tpu.memory_space<vmem>> -> memref<512xf32, #tpu.memory_space<vmem>>
    %dma_start3A_330 = arith.constant 4608 : i32
    %dma_start3A_331 = tpu.memref_slice %arg6[%dma_start3A_330] : memref<10752xi32, #tpu.memory_space<vmem>> -> memref<512xi32, #tpu.memory_space<vmem>>
    %dma_start3A_332 = arith.constant 0 : i32
    %dma_start3A_333 = tpu.memref_slice %arg2[%dma_start3A_332] : memref<1000000xf32, #tpu.memory_space<hbm>> -> memref<1000000xf32, #tpu.memory_space<hbm>>
    tpu.enqueue_indirect_dma source(%dma_start3A_333 : memref<1000000xf32, #tpu.memory_space<hbm>>) target(%dma_start3A_329 : memref<512xf32, #tpu.memory_space<vmem>>) offsets(%dma_start3A_331 : memref<512xi32, #tpu.memory_space<vmem>>) semaphore(%arg10 : memref<!tpu.dma_semaphore, #tpu.memory_space<semaphore_mem>>)
    %dma_wait3A_334 = arith.constant 9 : i32
    %dma_wait3A_335 = arith.constant 5120 : i32
    %dma_wait3A_336 = tpu.memref_slice %arg6[%dma_wait3A_335] : memref<10752xi32, #tpu.memory_space<vmem>> -> memref<512xi32, #tpu.memory_space<vmem>>
    %dma_wait3A_337 = tpu.memref_slice %arg4[%dma_wait3A_334, %mul3A_2] : memref<20x16384xi32, #tpu.memory_space<hbm>> -> memref<1x512xi32, #tpu.memory_space<hbm>>
    %dma_wait3A_338 = tpu.memref_squeeze %dma_wait3A_337 : memref<1x512xi32, #tpu.memory_space<hbm>> -> memref<512xi32, #tpu.memory_space<hbm>>
    %dma_wait3A_339 = arith.constant 5120 : i32
    %dma_wait3A_340 = tpu.memref_slice %arg6[%dma_wait3A_339] : memref<10752xi32, #tpu.memory_space<vmem>> -> memref<512xi32, #tpu.memory_space<vmem>>
    %dma_wait3A_341 = tpu.memref_slice %arg4[%dma_wait3A_334, %mul3A_2] : memref<20x16384xi32, #tpu.memory_space<hbm>> -> memref<1x512xi32, #tpu.memory_space<hbm>>
    %dma_wait3A_342 = tpu.memref_squeeze %dma_wait3A_341 : memref<1x512xi32, #tpu.memory_space<hbm>> -> memref<512xi32, #tpu.memory_space<hbm>>
    tpu.wait_dma2 semaphore(%arg9 : memref<!tpu.dma_semaphore, #tpu.memory_space<semaphore_mem>>) src(%dma_wait3A_342 : memref<512xi32, #tpu.memory_space<hbm>>) dst(%dma_wait3A_340 : memref<512xi32, #tpu.memory_space<vmem>>)
    %dma_start3A_343 = arith.constant 5120 : i32
    %dma_start3A_344 = tpu.memref_slice %arg7[%dma_start3A_343] : memref<10752xf32, #tpu.memory_space<vmem>> -> memref<512xf32, #tpu.memory_space<vmem>>
    %dma_start3A_345 = arith.constant 5120 : i32
    %dma_start3A_346 = tpu.memref_slice %arg6[%dma_start3A_345] : memref<10752xi32, #tpu.memory_space<vmem>> -> memref<512xi32, #tpu.memory_space<vmem>>
    %dma_start3A_347 = arith.constant 0 : i32
    %dma_start3A_348 = tpu.memref_slice %arg2[%dma_start3A_347] : memref<1000000xf32, #tpu.memory_space<hbm>> -> memref<1000000xf32, #tpu.memory_space<hbm>>
    tpu.enqueue_indirect_dma source(%dma_start3A_348 : memref<1000000xf32, #tpu.memory_space<hbm>>) target(%dma_start3A_344 : memref<512xf32, #tpu.memory_space<vmem>>) offsets(%dma_start3A_346 : memref<512xi32, #tpu.memory_space<vmem>>) semaphore(%arg10 : memref<!tpu.dma_semaphore, #tpu.memory_space<semaphore_mem>>)
    %dma_wait3A_349 = arith.constant 10 : i32
    %dma_wait3A_350 = arith.constant 5632 : i32
    %dma_wait3A_351 = tpu.memref_slice %arg6[%dma_wait3A_350] : memref<10752xi32, #tpu.memory_space<vmem>> -> memref<512xi32, #tpu.memory_space<vmem>>
    %dma_wait3A_352 = tpu.memref_slice %arg4[%dma_wait3A_349, %mul3A_2] : memref<20x16384xi32, #tpu.memory_space<hbm>> -> memref<1x512xi32, #tpu.memory_space<hbm>>
    %dma_wait3A_353 = tpu.memref_squeeze %dma_wait3A_352 : memref<1x512xi32, #tpu.memory_space<hbm>> -> memref<512xi32, #tpu.memory_space<hbm>>
    %dma_wait3A_354 = arith.constant 5632 : i32
    %dma_wait3A_355 = tpu.memref_slice %arg6[%dma_wait3A_354] : memref<10752xi32, #tpu.memory_space<vmem>> -> memref<512xi32, #tpu.memory_space<vmem>>
    %dma_wait3A_356 = tpu.memref_slice %arg4[%dma_wait3A_349, %mul3A_2] : memref<20x16384xi32, #tpu.memory_space<hbm>> -> memref<1x512xi32, #tpu.memory_space<hbm>>
    %dma_wait3A_357 = tpu.memref_squeeze %dma_wait3A_356 : memref<1x512xi32, #tpu.memory_space<hbm>> -> memref<512xi32, #tpu.memory_space<hbm>>
    tpu.wait_dma2 semaphore(%arg9 : memref<!tpu.dma_semaphore, #tpu.memory_space<semaphore_mem>>) src(%dma_wait3A_357 : memref<512xi32, #tpu.memory_space<hbm>>) dst(%dma_wait3A_355 : memref<512xi32, #tpu.memory_space<vmem>>)
    %dma_start3A_358 = arith.constant 5632 : i32
    %dma_start3A_359 = tpu.memref_slice %arg7[%dma_start3A_358] : memref<10752xf32, #tpu.memory_space<vmem>> -> memref<512xf32, #tpu.memory_space<vmem>>
    %dma_start3A_360 = arith.constant 5632 : i32
    %dma_start3A_361 = tpu.memref_slice %arg6[%dma_start3A_360] : memref<10752xi32, #tpu.memory_space<vmem>> -> memref<512xi32, #tpu.memory_space<vmem>>
    %dma_start3A_362 = arith.constant 0 : i32
    %dma_start3A_363 = tpu.memref_slice %arg2[%dma_start3A_362] : memref<1000000xf32, #tpu.memory_space<hbm>> -> memref<1000000xf32, #tpu.memory_space<hbm>>
    tpu.enqueue_indirect_dma source(%dma_start3A_363 : memref<1000000xf32, #tpu.memory_space<hbm>>) target(%dma_start3A_359 : memref<512xf32, #tpu.memory_space<vmem>>) offsets(%dma_start3A_361 : memref<512xi32, #tpu.memory_space<vmem>>) semaphore(%arg10 : memref<!tpu.dma_semaphore, #tpu.memory_space<semaphore_mem>>)
    %dma_wait3A_364 = arith.constant 11 : i32
    %dma_wait3A_365 = arith.constant 6144 : i32
    %dma_wait3A_366 = tpu.memref_slice %arg6[%dma_wait3A_365] : memref<10752xi32, #tpu.memory_space<vmem>> -> memref<512xi32, #tpu.memory_space<vmem>>
    %dma_wait3A_367 = tpu.memref_slice %arg4[%dma_wait3A_364, %mul3A_2] : memref<20x16384xi32, #tpu.memory_space<hbm>> -> memref<1x512xi32, #tpu.memory_space<hbm>>
    %dma_wait3A_368 = tpu.memref_squeeze %dma_wait3A_367 : memref<1x512xi32, #tpu.memory_space<hbm>> -> memref<512xi32, #tpu.memory_space<hbm>>
    %dma_wait3A_369 = arith.constant 6144 : i32
    %dma_wait3A_370 = tpu.memref_slice %arg6[%dma_wait3A_369] : memref<10752xi32, #tpu.memory_space<vmem>> -> memref<512xi32, #tpu.memory_space<vmem>>
    %dma_wait3A_371 = tpu.memref_slice %arg4[%dma_wait3A_364, %mul3A_2] : memref<20x16384xi32, #tpu.memory_space<hbm>> -> memref<1x512xi32, #tpu.memory_space<hbm>>
    %dma_wait3A_372 = tpu.memref_squeeze %dma_wait3A_371 : memref<1x512xi32, #tpu.memory_space<hbm>> -> memref<512xi32, #tpu.memory_space<hbm>>
    tpu.wait_dma2 semaphore(%arg9 : memref<!tpu.dma_semaphore, #tpu.memory_space<semaphore_mem>>) src(%dma_wait3A_372 : memref<512xi32, #tpu.memory_space<hbm>>) dst(%dma_wait3A_370 : memref<512xi32, #tpu.memory_space<vmem>>)
    %dma_start3A_373 = arith.constant 6144 : i32
    %dma_start3A_374 = tpu.memref_slice %arg7[%dma_start3A_373] : memref<10752xf32, #tpu.memory_space<vmem>> -> memref<512xf32, #tpu.memory_space<vmem>>
    %dma_start3A_375 = arith.constant 6144 : i32
    %dma_start3A_376 = tpu.memref_slice %arg6[%dma_start3A_375] : memref<10752xi32, #tpu.memory_space<vmem>> -> memref<512xi32, #tpu.memory_space<vmem>>
    %dma_start3A_377 = arith.constant 0 : i32
    %dma_start3A_378 = tpu.memref_slice %arg2[%dma_start3A_377] : memref<1000000xf32, #tpu.memory_space<hbm>> -> memref<1000000xf32, #tpu.memory_space<hbm>>
    tpu.enqueue_indirect_dma source(%dma_start3A_378 : memref<1000000xf32, #tpu.memory_space<hbm>>) target(%dma_start3A_374 : memref<512xf32, #tpu.memory_space<vmem>>) offsets(%dma_start3A_376 : memref<512xi32, #tpu.memory_space<vmem>>) semaphore(%arg10 : memref<!tpu.dma_semaphore, #tpu.memory_space<semaphore_mem>>)
    %dma_wait3A_379 = arith.constant 12 : i32
    %dma_wait3A_380 = arith.constant 6656 : i32
    %dma_wait3A_381 = tpu.memref_slice %arg6[%dma_wait3A_380] : memref<10752xi32, #tpu.memory_space<vmem>> -> memref<512xi32, #tpu.memory_space<vmem>>
    %dma_wait3A_382 = tpu.memref_slice %arg4[%dma_wait3A_379, %mul3A_2] : memref<20x16384xi32, #tpu.memory_space<hbm>> -> memref<1x512xi32, #tpu.memory_space<hbm>>
    %dma_wait3A_383 = tpu.memref_squeeze %dma_wait3A_382 : memref<1x512xi32, #tpu.memory_space<hbm>> -> memref<512xi32, #tpu.memory_space<hbm>>
    %dma_wait3A_384 = arith.constant 6656 : i32
    %dma_wait3A_385 = tpu.memref_slice %arg6[%dma_wait3A_384] : memref<10752xi32, #tpu.memory_space<vmem>> -> memref<512xi32, #tpu.memory_space<vmem>>
    %dma_wait3A_386 = tpu.memref_slice %arg4[%dma_wait3A_379, %mul3A_2] : memref<20x16384xi32, #tpu.memory_space<hbm>> -> memref<1x512xi32, #tpu.memory_space<hbm>>
    %dma_wait3A_387 = tpu.memref_squeeze %dma_wait3A_386 : memref<1x512xi32, #tpu.memory_space<hbm>> -> memref<512xi32, #tpu.memory_space<hbm>>
    tpu.wait_dma2 semaphore(%arg9 : memref<!tpu.dma_semaphore, #tpu.memory_space<semaphore_mem>>) src(%dma_wait3A_387 : memref<512xi32, #tpu.memory_space<hbm>>) dst(%dma_wait3A_385 : memref<512xi32, #tpu.memory_space<vmem>>)
    %dma_start3A_388 = arith.constant 6656 : i32
    %dma_start3A_389 = tpu.memref_slice %arg7[%dma_start3A_388] : memref<10752xf32, #tpu.memory_space<vmem>> -> memref<512xf32, #tpu.memory_space<vmem>>
    %dma_start3A_390 = arith.constant 6656 : i32
    %dma_start3A_391 = tpu.memref_slice %arg6[%dma_start3A_390] : memref<10752xi32, #tpu.memory_space<vmem>> -> memref<512xi32, #tpu.memory_space<vmem>>
    %dma_start3A_392 = arith.constant 0 : i32
    %dma_start3A_393 = tpu.memref_slice %arg2[%dma_start3A_392] : memref<1000000xf32, #tpu.memory_space<hbm>> -> memref<1000000xf32, #tpu.memory_space<hbm>>
    tpu.enqueue_indirect_dma source(%dma_start3A_393 : memref<1000000xf32, #tpu.memory_space<hbm>>) target(%dma_start3A_389 : memref<512xf32, #tpu.memory_space<vmem>>) offsets(%dma_start3A_391 : memref<512xi32, #tpu.memory_space<vmem>>) semaphore(%arg10 : memref<!tpu.dma_semaphore, #tpu.memory_space<semaphore_mem>>)
    %dma_wait3A_394 = arith.constant 13 : i32
    %dma_wait3A_395 = arith.constant 7168 : i32
    %dma_wait3A_396 = tpu.memref_slice %arg6[%dma_wait3A_395] : memref<10752xi32, #tpu.memory_space<vmem>> -> memref<512xi32, #tpu.memory_space<vmem>>
    %dma_wait3A_397 = tpu.memref_slice %arg4[%dma_wait3A_394, %mul3A_2] : memref<20x16384xi32, #tpu.memory_space<hbm>> -> memref<1x512xi32, #tpu.memory_space<hbm>>
    %dma_wait3A_398 = tpu.memref_squeeze %dma_wait3A_397 : memref<1x512xi32, #tpu.memory_space<hbm>> -> memref<512xi32, #tpu.memory_space<hbm>>
    %dma_wait3A_399 = arith.constant 7168 : i32
    %dma_wait3A_400 = tpu.memref_slice %arg6[%dma_wait3A_399] : memref<10752xi32, #tpu.memory_space<vmem>> -> memref<512xi32, #tpu.memory_space<vmem>>
    %dma_wait3A_401 = tpu.memref_slice %arg4[%dma_wait3A_394, %mul3A_2] : memref<20x16384xi32, #tpu.memory_space<hbm>> -> memref<1x512xi32, #tpu.memory_space<hbm>>
    %dma_wait3A_402 = tpu.memref_squeeze %dma_wait3A_401 : memref<1x512xi32, #tpu.memory_space<hbm>> -> memref<512xi32, #tpu.memory_space<hbm>>
    tpu.wait_dma2 semaphore(%arg9 : memref<!tpu.dma_semaphore, #tpu.memory_space<semaphore_mem>>) src(%dma_wait3A_402 : memref<512xi32, #tpu.memory_space<hbm>>) dst(%dma_wait3A_400 : memref<512xi32, #tpu.memory_space<vmem>>)
    %dma_start3A_403 = arith.constant 7168 : i32
    %dma_start3A_404 = tpu.memref_slice %arg7[%dma_start3A_403] : memref<10752xf32, #tpu.memory_space<vmem>> -> memref<512xf32, #tpu.memory_space<vmem>>
    %dma_start3A_405 = arith.constant 7168 : i32
    %dma_start3A_406 = tpu.memref_slice %arg6[%dma_start3A_405] : memref<10752xi32, #tpu.memory_space<vmem>> -> memref<512xi32, #tpu.memory_space<vmem>>
    %dma_start3A_407 = arith.constant 0 : i32
    %dma_start3A_408 = tpu.memref_slice %arg2[%dma_start3A_407] : memref<1000000xf32, #tpu.memory_space<hbm>> -> memref<1000000xf32, #tpu.memory_space<hbm>>
    tpu.enqueue_indirect_dma source(%dma_start3A_408 : memref<1000000xf32, #tpu.memory_space<hbm>>) target(%dma_start3A_404 : memref<512xf32, #tpu.memory_space<vmem>>) offsets(%dma_start3A_406 : memref<512xi32, #tpu.memory_space<vmem>>) semaphore(%arg10 : memref<!tpu.dma_semaphore, #tpu.memory_space<semaphore_mem>>)
    %dma_wait3A_409 = arith.constant 14 : i32
    %dma_wait3A_410 = arith.constant 7680 : i32
    %dma_wait3A_411 = tpu.memref_slice %arg6[%dma_wait3A_410] : memref<10752xi32, #tpu.memory_space<vmem>> -> memref<512xi32, #tpu.memory_space<vmem>>
    %dma_wait3A_412 = tpu.memref_slice %arg4[%dma_wait3A_409, %mul3A_2] : memref<20x16384xi32, #tpu.memory_space<hbm>> -> memref<1x512xi32, #tpu.memory_space<hbm>>
    %dma_wait3A_413 = tpu.memref_squeeze %dma_wait3A_412 : memref<1x512xi32, #tpu.memory_space<hbm>> -> memref<512xi32, #tpu.memory_space<hbm>>
    %dma_wait3A_414 = arith.constant 7680 : i32
    %dma_wait3A_415 = tpu.memref_slice %arg6[%dma_wait3A_414] : memref<10752xi32, #tpu.memory_space<vmem>> -> memref<512xi32, #tpu.memory_space<vmem>>
    %dma_wait3A_416 = tpu.memref_slice %arg4[%dma_wait3A_409, %mul3A_2] : memref<20x16384xi32, #tpu.memory_space<hbm>> -> memref<1x512xi32, #tpu.memory_space<hbm>>
    %dma_wait3A_417 = tpu.memref_squeeze %dma_wait3A_416 : memref<1x512xi32, #tpu.memory_space<hbm>> -> memref<512xi32, #tpu.memory_space<hbm>>
    tpu.wait_dma2 semaphore(%arg9 : memref<!tpu.dma_semaphore, #tpu.memory_space<semaphore_mem>>) src(%dma_wait3A_417 : memref<512xi32, #tpu.memory_space<hbm>>) dst(%dma_wait3A_415 : memref<512xi32, #tpu.memory_space<vmem>>)
    %dma_start3A_418 = arith.constant 7680 : i32
    %dma_start3A_419 = tpu.memref_slice %arg7[%dma_start3A_418] : memref<10752xf32, #tpu.memory_space<vmem>> -> memref<512xf32, #tpu.memory_space<vmem>>
    %dma_start3A_420 = arith.constant 7680 : i32
    %dma_start3A_421 = tpu.memref_slice %arg6[%dma_start3A_420] : memref<10752xi32, #tpu.memory_space<vmem>> -> memref<512xi32, #tpu.memory_space<vmem>>
    %dma_start3A_422 = arith.constant 0 : i32
    %dma_start3A_423 = tpu.memref_slice %arg2[%dma_start3A_422] : memref<1000000xf32, #tpu.memory_space<hbm>> -> memref<1000000xf32, #tpu.memory_space<hbm>>
    tpu.enqueue_indirect_dma source(%dma_start3A_423 : memref<1000000xf32, #tpu.memory_space<hbm>>) target(%dma_start3A_419 : memref<512xf32, #tpu.memory_space<vmem>>) offsets(%dma_start3A_421 : memref<512xi32, #tpu.memory_space<vmem>>) semaphore(%arg10 : memref<!tpu.dma_semaphore, #tpu.memory_space<semaphore_mem>>)
    %dma_wait3A_424 = arith.constant 15 : i32
    %dma_wait3A_425 = arith.constant 8192 : i32
    %dma_wait3A_426 = tpu.memref_slice %arg6[%dma_wait3A_425] : memref<10752xi32, #tpu.memory_space<vmem>> -> memref<512xi32, #tpu.memory_space<vmem>>
    %dma_wait3A_427 = tpu.memref_slice %arg4[%dma_wait3A_424, %mul3A_2] : memref<20x16384xi32, #tpu.memory_space<hbm>> -> memref<1x512xi32, #tpu.memory_space<hbm>>
    %dma_wait3A_428 = tpu.memref_squeeze %dma_wait3A_427 : memref<1x512xi32, #tpu.memory_space<hbm>> -> memref<512xi32, #tpu.memory_space<hbm>>
    %dma_wait3A_429 = arith.constant 8192 : i32
    %dma_wait3A_430 = tpu.memref_slice %arg6[%dma_wait3A_429] : memref<10752xi32, #tpu.memory_space<vmem>> -> memref<512xi32, #tpu.memory_space<vmem>>
    %dma_wait3A_431 = tpu.memref_slice %arg4[%dma_wait3A_424, %mul3A_2] : memref<20x16384xi32, #tpu.memory_space<hbm>> -> memref<1x512xi32, #tpu.memory_space<hbm>>
    %dma_wait3A_432 = tpu.memref_squeeze %dma_wait3A_431 : memref<1x512xi32, #tpu.memory_space<hbm>> -> memref<512xi32, #tpu.memory_space<hbm>>
    tpu.wait_dma2 semaphore(%arg9 : memref<!tpu.dma_semaphore, #tpu.memory_space<semaphore_mem>>) src(%dma_wait3A_432 : memref<512xi32, #tpu.memory_space<hbm>>) dst(%dma_wait3A_430 : memref<512xi32, #tpu.memory_space<vmem>>)
    %dma_start3A_433 = arith.constant 8192 : i32
    %dma_start3A_434 = tpu.memref_slice %arg7[%dma_start3A_433] : memref<10752xf32, #tpu.memory_space<vmem>> -> memref<512xf32, #tpu.memory_space<vmem>>
    %dma_start3A_435 = arith.constant 8192 : i32
    %dma_start3A_436 = tpu.memref_slice %arg6[%dma_start3A_435] : memref<10752xi32, #tpu.memory_space<vmem>> -> memref<512xi32, #tpu.memory_space<vmem>>
    %dma_start3A_437 = arith.constant 0 : i32
    %dma_start3A_438 = tpu.memref_slice %arg2[%dma_start3A_437] : memref<1000000xf32, #tpu.memory_space<hbm>> -> memref<1000000xf32, #tpu.memory_space<hbm>>
    tpu.enqueue_indirect_dma source(%dma_start3A_438 : memref<1000000xf32, #tpu.memory_space<hbm>>) target(%dma_start3A_434 : memref<512xf32, #tpu.memory_space<vmem>>) offsets(%dma_start3A_436 : memref<512xi32, #tpu.memory_space<vmem>>) semaphore(%arg10 : memref<!tpu.dma_semaphore, #tpu.memory_space<semaphore_mem>>)
    %dma_wait3A_439 = arith.constant 16 : i32
    %dma_wait3A_440 = arith.constant 8704 : i32
    %dma_wait3A_441 = tpu.memref_slice %arg6[%dma_wait3A_440] : memref<10752xi32, #tpu.memory_space<vmem>> -> memref<512xi32, #tpu.memory_space<vmem>>
    %dma_wait3A_442 = tpu.memref_slice %arg4[%dma_wait3A_439, %mul3A_2] : memref<20x16384xi32, #tpu.memory_space<hbm>> -> memref<1x512xi32, #tpu.memory_space<hbm>>
    %dma_wait3A_443 = tpu.memref_squeeze %dma_wait3A_442 : memref<1x512xi32, #tpu.memory_space<hbm>> -> memref<512xi32, #tpu.memory_space<hbm>>
    %dma_wait3A_444 = arith.constant 8704 : i32
    %dma_wait3A_445 = tpu.memref_slice %arg6[%dma_wait3A_444] : memref<10752xi32, #tpu.memory_space<vmem>> -> memref<512xi32, #tpu.memory_space<vmem>>
    %dma_wait3A_446 = tpu.memref_slice %arg4[%dma_wait3A_439, %mul3A_2] : memref<20x16384xi32, #tpu.memory_space<hbm>> -> memref<1x512xi32, #tpu.memory_space<hbm>>
    %dma_wait3A_447 = tpu.memref_squeeze %dma_wait3A_446 : memref<1x512xi32, #tpu.memory_space<hbm>> -> memref<512xi32, #tpu.memory_space<hbm>>
    tpu.wait_dma2 semaphore(%arg9 : memref<!tpu.dma_semaphore, #tpu.memory_space<semaphore_mem>>) src(%dma_wait3A_447 : memref<512xi32, #tpu.memory_space<hbm>>) dst(%dma_wait3A_445 : memref<512xi32, #tpu.memory_space<vmem>>)
    %dma_start3A_448 = arith.constant 8704 : i32
    %dma_start3A_449 = tpu.memref_slice %arg7[%dma_start3A_448] : memref<10752xf32, #tpu.memory_space<vmem>> -> memref<512xf32, #tpu.memory_space<vmem>>
    %dma_start3A_450 = arith.constant 8704 : i32
    %dma_start3A_451 = tpu.memref_slice %arg6[%dma_start3A_450] : memref<10752xi32, #tpu.memory_space<vmem>> -> memref<512xi32, #tpu.memory_space<vmem>>
    %dma_start3A_452 = arith.constant 0 : i32
    %dma_start3A_453 = tpu.memref_slice %arg2[%dma_start3A_452] : memref<1000000xf32, #tpu.memory_space<hbm>> -> memref<1000000xf32, #tpu.memory_space<hbm>>
    tpu.enqueue_indirect_dma source(%dma_start3A_453 : memref<1000000xf32, #tpu.memory_space<hbm>>) target(%dma_start3A_449 : memref<512xf32, #tpu.memory_space<vmem>>) offsets(%dma_start3A_451 : memref<512xi32, #tpu.memory_space<vmem>>) semaphore(%arg10 : memref<!tpu.dma_semaphore, #tpu.memory_space<semaphore_mem>>)
    %dma_wait3A_454 = arith.constant 17 : i32
    %dma_wait3A_455 = arith.constant 9216 : i32
    %dma_wait3A_456 = tpu.memref_slice %arg6[%dma_wait3A_455] : memref<10752xi32, #tpu.memory_space<vmem>> -> memref<512xi32, #tpu.memory_space<vmem>>
    %dma_wait3A_457 = tpu.memref_slice %arg4[%dma_wait3A_454, %mul3A_2] : memref<20x16384xi32, #tpu.memory_space<hbm>> -> memref<1x512xi32, #tpu.memory_space<hbm>>
    %dma_wait3A_458 = tpu.memref_squeeze %dma_wait3A_457 : memref<1x512xi32, #tpu.memory_space<hbm>> -> memref<512xi32, #tpu.memory_space<hbm>>
    %dma_wait3A_459 = arith.constant 9216 : i32
    %dma_wait3A_460 = tpu.memref_slice %arg6[%dma_wait3A_459] : memref<10752xi32, #tpu.memory_space<vmem>> -> memref<512xi32, #tpu.memory_space<vmem>>
    %dma_wait3A_461 = tpu.memref_slice %arg4[%dma_wait3A_454, %mul3A_2] : memref<20x16384xi32, #tpu.memory_space<hbm>> -> memref<1x512xi32, #tpu.memory_space<hbm>>
    %dma_wait3A_462 = tpu.memref_squeeze %dma_wait3A_461 : memref<1x512xi32, #tpu.memory_space<hbm>> -> memref<512xi32, #tpu.memory_space<hbm>>
    tpu.wait_dma2 semaphore(%arg9 : memref<!tpu.dma_semaphore, #tpu.memory_space<semaphore_mem>>) src(%dma_wait3A_462 : memref<512xi32, #tpu.memory_space<hbm>>) dst(%dma_wait3A_460 : memref<512xi32, #tpu.memory_space<vmem>>)
    %dma_start3A_463 = arith.constant 9216 : i32
    %dma_start3A_464 = tpu.memref_slice %arg7[%dma_start3A_463] : memref<10752xf32, #tpu.memory_space<vmem>> -> memref<512xf32, #tpu.memory_space<vmem>>
    %dma_start3A_465 = arith.constant 9216 : i32
    %dma_start3A_466 = tpu.memref_slice %arg6[%dma_start3A_465] : memref<10752xi32, #tpu.memory_space<vmem>> -> memref<512xi32, #tpu.memory_space<vmem>>
    %dma_start3A_467 = arith.constant 0 : i32
    %dma_start3A_468 = tpu.memref_slice %arg2[%dma_start3A_467] : memref<1000000xf32, #tpu.memory_space<hbm>> -> memref<1000000xf32, #tpu.memory_space<hbm>>
    tpu.enqueue_indirect_dma source(%dma_start3A_468 : memref<1000000xf32, #tpu.memory_space<hbm>>) target(%dma_start3A_464 : memref<512xf32, #tpu.memory_space<vmem>>) offsets(%dma_start3A_466 : memref<512xi32, #tpu.memory_space<vmem>>) semaphore(%arg10 : memref<!tpu.dma_semaphore, #tpu.memory_space<semaphore_mem>>)
    %dma_wait3A_469 = arith.constant 18 : i32
    %dma_wait3A_470 = arith.constant 9728 : i32
    %dma_wait3A_471 = tpu.memref_slice %arg6[%dma_wait3A_470] : memref<10752xi32, #tpu.memory_space<vmem>> -> memref<512xi32, #tpu.memory_space<vmem>>
    %dma_wait3A_472 = tpu.memref_slice %arg4[%dma_wait3A_469, %mul3A_2] : memref<20x16384xi32, #tpu.memory_space<hbm>> -> memref<1x512xi32, #tpu.memory_space<hbm>>
    %dma_wait3A_473 = tpu.memref_squeeze %dma_wait3A_472 : memref<1x512xi32, #tpu.memory_space<hbm>> -> memref<512xi32, #tpu.memory_space<hbm>>
    %dma_wait3A_474 = arith.constant 9728 : i32
    %dma_wait3A_475 = tpu.memref_slice %arg6[%dma_wait3A_474] : memref<10752xi32, #tpu.memory_space<vmem>> -> memref<512xi32, #tpu.memory_space<vmem>>
    %dma_wait3A_476 = tpu.memref_slice %arg4[%dma_wait3A_469, %mul3A_2] : memref<20x16384xi32, #tpu.memory_space<hbm>> -> memref<1x512xi32, #tpu.memory_space<hbm>>
    %dma_wait3A_477 = tpu.memref_squeeze %dma_wait3A_476 : memref<1x512xi32, #tpu.memory_space<hbm>> -> memref<512xi32, #tpu.memory_space<hbm>>
    tpu.wait_dma2 semaphore(%arg9 : memref<!tpu.dma_semaphore, #tpu.memory_space<semaphore_mem>>) src(%dma_wait3A_477 : memref<512xi32, #tpu.memory_space<hbm>>) dst(%dma_wait3A_475 : memref<512xi32, #tpu.memory_space<vmem>>)
    %dma_start3A_478 = arith.constant 9728 : i32
    %dma_start3A_479 = tpu.memref_slice %arg7[%dma_start3A_478] : memref<10752xf32, #tpu.memory_space<vmem>> -> memref<512xf32, #tpu.memory_space<vmem>>
    %dma_start3A_480 = arith.constant 9728 : i32
    %dma_start3A_481 = tpu.memref_slice %arg6[%dma_start3A_480] : memref<10752xi32, #tpu.memory_space<vmem>> -> memref<512xi32, #tpu.memory_space<vmem>>
    %dma_start3A_482 = arith.constant 0 : i32
    %dma_start3A_483 = tpu.memref_slice %arg2[%dma_start3A_482] : memref<1000000xf32, #tpu.memory_space<hbm>> -> memref<1000000xf32, #tpu.memory_space<hbm>>
    tpu.enqueue_indirect_dma source(%dma_start3A_483 : memref<1000000xf32, #tpu.memory_space<hbm>>) target(%dma_start3A_479 : memref<512xf32, #tpu.memory_space<vmem>>) offsets(%dma_start3A_481 : memref<512xi32, #tpu.memory_space<vmem>>) semaphore(%arg10 : memref<!tpu.dma_semaphore, #tpu.memory_space<semaphore_mem>>)
    %dma_wait3A_484 = arith.constant 19 : i32
    %dma_wait3A_485 = arith.constant 10240 : i32
    %dma_wait3A_486 = tpu.memref_slice %arg6[%dma_wait3A_485] : memref<10752xi32, #tpu.memory_space<vmem>> -> memref<512xi32, #tpu.memory_space<vmem>>
    %dma_wait3A_487 = tpu.memref_slice %arg4[%dma_wait3A_484, %mul3A_2] : memref<20x16384xi32, #tpu.memory_space<hbm>> -> memref<1x512xi32, #tpu.memory_space<hbm>>
    %dma_wait3A_488 = tpu.memref_squeeze %dma_wait3A_487 : memref<1x512xi32, #tpu.memory_space<hbm>> -> memref<512xi32, #tpu.memory_space<hbm>>
    %dma_wait3A_489 = arith.constant 10240 : i32
    %dma_wait3A_490 = tpu.memref_slice %arg6[%dma_wait3A_489] : memref<10752xi32, #tpu.memory_space<vmem>> -> memref<512xi32, #tpu.memory_space<vmem>>
    %dma_wait3A_491 = tpu.memref_slice %arg4[%dma_wait3A_484, %mul3A_2] : memref<20x16384xi32, #tpu.memory_space<hbm>> -> memref<1x512xi32, #tpu.memory_space<hbm>>
    %dma_wait3A_492 = tpu.memref_squeeze %dma_wait3A_491 : memref<1x512xi32, #tpu.memory_space<hbm>> -> memref<512xi32, #tpu.memory_space<hbm>>
    tpu.wait_dma2 semaphore(%arg9 : memref<!tpu.dma_semaphore, #tpu.memory_space<semaphore_mem>>) src(%dma_wait3A_492 : memref<512xi32, #tpu.memory_space<hbm>>) dst(%dma_wait3A_490 : memref<512xi32, #tpu.memory_space<vmem>>)
    %dma_start3A_493 = arith.constant 10240 : i32
    %dma_start3A_494 = tpu.memref_slice %arg7[%dma_start3A_493] : memref<10752xf32, #tpu.memory_space<vmem>> -> memref<512xf32, #tpu.memory_space<vmem>>
    %dma_start3A_495 = arith.constant 10240 : i32
    %dma_start3A_496 = tpu.memref_slice %arg6[%dma_start3A_495] : memref<10752xi32, #tpu.memory_space<vmem>> -> memref<512xi32, #tpu.memory_space<vmem>>
    %dma_start3A_497 = arith.constant 0 : i32
    %dma_start3A_498 = tpu.memref_slice %arg2[%dma_start3A_497] : memref<1000000xf32, #tpu.memory_space<hbm>> -> memref<1000000xf32, #tpu.memory_space<hbm>>
    tpu.enqueue_indirect_dma source(%dma_start3A_498 : memref<1000000xf32, #tpu.memory_space<hbm>>) target(%dma_start3A_494 : memref<512xf32, #tpu.memory_space<vmem>>) offsets(%dma_start3A_496 : memref<512xi32, #tpu.memory_space<vmem>>) semaphore(%arg10 : memref<!tpu.dma_semaphore, #tpu.memory_space<semaphore_mem>>)
    %dma_wait3A_499 = arith.constant 0 : i32
    %dma_wait3A_500 = tpu.memref_slice %arg7[%dma_wait3A_499] : memref<10752xf32, #tpu.memory_space<vmem>> -> memref<512xf32, #tpu.memory_space<vmem>>
    %dma_wait3A_501 = arith.constant 0 : i32
    %dma_wait3A_502 = tpu.memref_slice %arg6[%dma_wait3A_501] : memref<10752xi32, #tpu.memory_space<vmem>> -> memref<512xi32, #tpu.memory_space<vmem>>
    %dma_wait3A_503 = arith.constant 0 : i32
    %dma_wait3A_504 = tpu.memref_slice %arg2[%dma_wait3A_503] : memref<1000000xf32, #tpu.memory_space<hbm>> -> memref<1000000xf32, #tpu.memory_space<hbm>>
    tpu.wait_indirect_dma semaphore(%arg10 : memref<!tpu.dma_semaphore, #tpu.memory_space<semaphore_mem>>) src(%dma_wait3A_504 : memref<1000000xf32, #tpu.memory_space<hbm>>) dst(%dma_wait3A_500 : memref<512xf32, #tpu.memory_space<vmem>>)
    %dma_wait3A_505 = arith.constant 512 : i32
    %dma_wait3A_506 = tpu.memref_slice %arg7[%dma_wait3A_505] : memref<10752xf32, #tpu.memory_space<vmem>> -> memref<512xf32, #tpu.memory_space<vmem>>
    %dma_wait3A_507 = arith.constant 512 : i32
    %dma_wait3A_508 = tpu.memref_slice %arg6[%dma_wait3A_507] : memref<10752xi32, #tpu.memory_space<vmem>> -> memref<512xi32, #tpu.memory_space<vmem>>
    %dma_wait3A_509 = arith.constant 0 : i32
    %dma_wait3A_510 = tpu.memref_slice %arg2[%dma_wait3A_509] : memref<1000000xf32, #tpu.memory_space<hbm>> -> memref<1000000xf32, #tpu.memory_space<hbm>>
    tpu.wait_indirect_dma semaphore(%arg10 : memref<!tpu.dma_semaphore, #tpu.memory_space<semaphore_mem>>) src(%dma_wait3A_510 : memref<1000000xf32, #tpu.memory_space<hbm>>) dst(%dma_wait3A_506 : memref<512xf32, #tpu.memory_space<vmem>>)
    %dma_wait3A_511 = arith.constant 1024 : i32
    %dma_wait3A_512 = tpu.memref_slice %arg7[%dma_wait3A_511] : memref<10752xf32, #tpu.memory_space<vmem>> -> memref<512xf32, #tpu.memory_space<vmem>>
    %dma_wait3A_513 = arith.constant 1024 : i32
    %dma_wait3A_514 = tpu.memref_slice %arg6[%dma_wait3A_513] : memref<10752xi32, #tpu.memory_space<vmem>> -> memref<512xi32, #tpu.memory_space<vmem>>
    %dma_wait3A_515 = arith.constant 0 : i32
    %dma_wait3A_516 = tpu.memref_slice %arg2[%dma_wait3A_515] : memref<1000000xf32, #tpu.memory_space<hbm>> -> memref<1000000xf32, #tpu.memory_space<hbm>>
    tpu.wait_indirect_dma semaphore(%arg10 : memref<!tpu.dma_semaphore, #tpu.memory_space<semaphore_mem>>) src(%dma_wait3A_516 : memref<1000000xf32, #tpu.memory_space<hbm>>) dst(%dma_wait3A_512 : memref<512xf32, #tpu.memory_space<vmem>>)
    %dma_wait3A_517 = arith.constant 1536 : i32
    %dma_wait3A_518 = tpu.memref_slice %arg7[%dma_wait3A_517] : memref<10752xf32, #tpu.memory_space<vmem>> -> memref<512xf32, #tpu.memory_space<vmem>>
    %dma_wait3A_519 = arith.constant 1536 : i32
    %dma_wait3A_520 = tpu.memref_slice %arg6[%dma_wait3A_519] : memref<10752xi32, #tpu.memory_space<vmem>> -> memref<512xi32, #tpu.memory_space<vmem>>
    %dma_wait3A_521 = arith.constant 0 : i32
    %dma_wait3A_522 = tpu.memref_slice %arg2[%dma_wait3A_521] : memref<1000000xf32, #tpu.memory_space<hbm>> -> memref<1000000xf32, #tpu.memory_space<hbm>>
    tpu.wait_indirect_dma semaphore(%arg10 : memref<!tpu.dma_semaphore, #tpu.memory_space<semaphore_mem>>) src(%dma_wait3A_522 : memref<1000000xf32, #tpu.memory_space<hbm>>) dst(%dma_wait3A_518 : memref<512xf32, #tpu.memory_space<vmem>>)
    %dma_wait3A_523 = arith.constant 2048 : i32
    %dma_wait3A_524 = tpu.memref_slice %arg7[%dma_wait3A_523] : memref<10752xf32, #tpu.memory_space<vmem>> -> memref<512xf32, #tpu.memory_space<vmem>>
    %dma_wait3A_525 = arith.constant 2048 : i32
    %dma_wait3A_526 = tpu.memref_slice %arg6[%dma_wait3A_525] : memref<10752xi32, #tpu.memory_space<vmem>> -> memref<512xi32, #tpu.memory_space<vmem>>
    %dma_wait3A_527 = arith.constant 0 : i32
    %dma_wait3A_528 = tpu.memref_slice %arg2[%dma_wait3A_527] : memref<1000000xf32, #tpu.memory_space<hbm>> -> memref<1000000xf32, #tpu.memory_space<hbm>>
    tpu.wait_indirect_dma semaphore(%arg10 : memref<!tpu.dma_semaphore, #tpu.memory_space<semaphore_mem>>) src(%dma_wait3A_528 : memref<1000000xf32, #tpu.memory_space<hbm>>) dst(%dma_wait3A_524 : memref<512xf32, #tpu.memory_space<vmem>>)
    %dma_wait3A_529 = arith.constant 2560 : i32
    %dma_wait3A_530 = tpu.memref_slice %arg7[%dma_wait3A_529] : memref<10752xf32, #tpu.memory_space<vmem>> -> memref<512xf32, #tpu.memory_space<vmem>>
    %dma_wait3A_531 = arith.constant 2560 : i32
    %dma_wait3A_532 = tpu.memref_slice %arg6[%dma_wait3A_531] : memref<10752xi32, #tpu.memory_space<vmem>> -> memref<512xi32, #tpu.memory_space<vmem>>
    %dma_wait3A_533 = arith.constant 0 : i32
    %dma_wait3A_534 = tpu.memref_slice %arg2[%dma_wait3A_533] : memref<1000000xf32, #tpu.memory_space<hbm>> -> memref<1000000xf32, #tpu.memory_space<hbm>>
    tpu.wait_indirect_dma semaphore(%arg10 : memref<!tpu.dma_semaphore, #tpu.memory_space<semaphore_mem>>) src(%dma_wait3A_534 : memref<1000000xf32, #tpu.memory_space<hbm>>) dst(%dma_wait3A_530 : memref<512xf32, #tpu.memory_space<vmem>>)
    %dma_wait3A_535 = arith.constant 3072 : i32
    %dma_wait3A_536 = tpu.memref_slice %arg7[%dma_wait3A_535] : memref<10752xf32, #tpu.memory_space<vmem>> -> memref<512xf32, #tpu.memory_space<vmem>>
    %dma_wait3A_537 = arith.constant 3072 : i32
    %dma_wait3A_538 = tpu.memref_slice %arg6[%dma_wait3A_537] : memref<10752xi32, #tpu.memory_space<vmem>> -> memref<512xi32, #tpu.memory_space<vmem>>
    %dma_wait3A_539 = arith.constant 0 : i32
    %dma_wait3A_540 = tpu.memref_slice %arg2[%dma_wait3A_539] : memref<1000000xf32, #tpu.memory_space<hbm>> -> memref<1000000xf32, #tpu.memory_space<hbm>>
    tpu.wait_indirect_dma semaphore(%arg10 : memref<!tpu.dma_semaphore, #tpu.memory_space<semaphore_mem>>) src(%dma_wait3A_540 : memref<1000000xf32, #tpu.memory_space<hbm>>) dst(%dma_wait3A_536 : memref<512xf32, #tpu.memory_space<vmem>>)
    %dma_wait3A_541 = arith.constant 3584 : i32
    %dma_wait3A_542 = tpu.memref_slice %arg7[%dma_wait3A_541] : memref<10752xf32, #tpu.memory_space<vmem>> -> memref<512xf32, #tpu.memory_space<vmem>>
    %dma_wait3A_543 = arith.constant 3584 : i32
    %dma_wait3A_544 = tpu.memref_slice %arg6[%dma_wait3A_543] : memref<10752xi32, #tpu.memory_space<vmem>> -> memref<512xi32, #tpu.memory_space<vmem>>
    %dma_wait3A_545 = arith.constant 0 : i32
    %dma_wait3A_546 = tpu.memref_slice %arg2[%dma_wait3A_545] : memref<1000000xf32, #tpu.memory_space<hbm>> -> memref<1000000xf32, #tpu.memory_space<hbm>>
    tpu.wait_indirect_dma semaphore(%arg10 : memref<!tpu.dma_semaphore, #tpu.memory_space<semaphore_mem>>) src(%dma_wait3A_546 : memref<1000000xf32, #tpu.memory_space<hbm>>) dst(%dma_wait3A_542 : memref<512xf32, #tpu.memory_space<vmem>>)
    %dma_wait3A_547 = arith.constant 4096 : i32
    %dma_wait3A_548 = tpu.memref_slice %arg7[%dma_wait3A_547] : memref<10752xf32, #tpu.memory_space<vmem>> -> memref<512xf32, #tpu.memory_space<vmem>>
    %dma_wait3A_549 = arith.constant 4096 : i32
    %dma_wait3A_550 = tpu.memref_slice %arg6[%dma_wait3A_549] : memref<10752xi32, #tpu.memory_space<vmem>> -> memref<512xi32, #tpu.memory_space<vmem>>
    %dma_wait3A_551 = arith.constant 0 : i32
    %dma_wait3A_552 = tpu.memref_slice %arg2[%dma_wait3A_551] : memref<1000000xf32, #tpu.memory_space<hbm>> -> memref<1000000xf32, #tpu.memory_space<hbm>>
    tpu.wait_indirect_dma semaphore(%arg10 : memref<!tpu.dma_semaphore, #tpu.memory_space<semaphore_mem>>) src(%dma_wait3A_552 : memref<1000000xf32, #tpu.memory_space<hbm>>) dst(%dma_wait3A_548 : memref<512xf32, #tpu.memory_space<vmem>>)
    %dma_wait3A_553 = arith.constant 4608 : i32
    %dma_wait3A_554 = tpu.memref_slice %arg7[%dma_wait3A_553] : memref<10752xf32, #tpu.memory_space<vmem>> -> memref<512xf32, #tpu.memory_space<vmem>>
    %dma_wait3A_555 = arith.constant 4608 : i32
    %dma_wait3A_556 = tpu.memref_slice %arg6[%dma_wait3A_555] : memref<10752xi32, #tpu.memory_space<vmem>> -> memref<512xi32, #tpu.memory_space<vmem>>
    %dma_wait3A_557 = arith.constant 0 : i32
    %dma_wait3A_558 = tpu.memref_slice %arg2[%dma_wait3A_557] : memref<1000000xf32, #tpu.memory_space<hbm>> -> memref<1000000xf32, #tpu.memory_space<hbm>>
    tpu.wait_indirect_dma semaphore(%arg10 : memref<!tpu.dma_semaphore, #tpu.memory_space<semaphore_mem>>) src(%dma_wait3A_558 : memref<1000000xf32, #tpu.memory_space<hbm>>) dst(%dma_wait3A_554 : memref<512xf32, #tpu.memory_space<vmem>>)
    %dma_wait3A_559 = arith.constant 5120 : i32
    %dma_wait3A_560 = tpu.memref_slice %arg7[%dma_wait3A_559] : memref<10752xf32, #tpu.memory_space<vmem>> -> memref<512xf32, #tpu.memory_space<vmem>>
    %dma_wait3A_561 = arith.constant 5120 : i32
    %dma_wait3A_562 = tpu.memref_slice %arg6[%dma_wait3A_561] : memref<10752xi32, #tpu.memory_space<vmem>> -> memref<512xi32, #tpu.memory_space<vmem>>
    %dma_wait3A_563 = arith.constant 0 : i32
    %dma_wait3A_564 = tpu.memref_slice %arg2[%dma_wait3A_563] : memref<1000000xf32, #tpu.memory_space<hbm>> -> memref<1000000xf32, #tpu.memory_space<hbm>>
    tpu.wait_indirect_dma semaphore(%arg10 : memref<!tpu.dma_semaphore, #tpu.memory_space<semaphore_mem>>) src(%dma_wait3A_564 : memref<1000000xf32, #tpu.memory_space<hbm>>) dst(%dma_wait3A_560 : memref<512xf32, #tpu.memory_space<vmem>>)
    %dma_wait3A_565 = arith.constant 5632 : i32
    %dma_wait3A_566 = tpu.memref_slice %arg7[%dma_wait3A_565] : memref<10752xf32, #tpu.memory_space<vmem>> -> memref<512xf32, #tpu.memory_space<vmem>>
    %dma_wait3A_567 = arith.constant 5632 : i32
    %dma_wait3A_568 = tpu.memref_slice %arg6[%dma_wait3A_567] : memref<10752xi32, #tpu.memory_space<vmem>> -> memref<512xi32, #tpu.memory_space<vmem>>
    %dma_wait3A_569 = arith.constant 0 : i32
    %dma_wait3A_570 = tpu.memref_slice %arg2[%dma_wait3A_569] : memref<1000000xf32, #tpu.memory_space<hbm>> -> memref<1000000xf32, #tpu.memory_space<hbm>>
    tpu.wait_indirect_dma semaphore(%arg10 : memref<!tpu.dma_semaphore, #tpu.memory_space<semaphore_mem>>) src(%dma_wait3A_570 : memref<1000000xf32, #tpu.memory_space<hbm>>) dst(%dma_wait3A_566 : memref<512xf32, #tpu.memory_space<vmem>>)
    %dma_wait3A_571 = arith.constant 6144 : i32
    %dma_wait3A_572 = tpu.memref_slice %arg7[%dma_wait3A_571] : memref<10752xf32, #tpu.memory_space<vmem>> -> memref<512xf32, #tpu.memory_space<vmem>>
    %dma_wait3A_573 = arith.constant 6144 : i32
    %dma_wait3A_574 = tpu.memref_slice %arg6[%dma_wait3A_573] : memref<10752xi32, #tpu.memory_space<vmem>> -> memref<512xi32, #tpu.memory_space<vmem>>
    %dma_wait3A_575 = arith.constant 0 : i32
    %dma_wait3A_576 = tpu.memref_slice %arg2[%dma_wait3A_575] : memref<1000000xf32, #tpu.memory_space<hbm>> -> memref<1000000xf32, #tpu.memory_space<hbm>>
    tpu.wait_indirect_dma semaphore(%arg10 : memref<!tpu.dma_semaphore, #tpu.memory_space<semaphore_mem>>) src(%dma_wait3A_576 : memref<1000000xf32, #tpu.memory_space<hbm>>) dst(%dma_wait3A_572 : memref<512xf32, #tpu.memory_space<vmem>>)
    %dma_wait3A_577 = arith.constant 6656 : i32
    %dma_wait3A_578 = tpu.memref_slice %arg7[%dma_wait3A_577] : memref<10752xf32, #tpu.memory_space<vmem>> -> memref<512xf32, #tpu.memory_space<vmem>>
    %dma_wait3A_579 = arith.constant 6656 : i32
    %dma_wait3A_580 = tpu.memref_slice %arg6[%dma_wait3A_579] : memref<10752xi32, #tpu.memory_space<vmem>> -> memref<512xi32, #tpu.memory_space<vmem>>
    %dma_wait3A_581 = arith.constant 0 : i32
    %dma_wait3A_582 = tpu.memref_slice %arg2[%dma_wait3A_581] : memref<1000000xf32, #tpu.memory_space<hbm>> -> memref<1000000xf32, #tpu.memory_space<hbm>>
    tpu.wait_indirect_dma semaphore(%arg10 : memref<!tpu.dma_semaphore, #tpu.memory_space<semaphore_mem>>) src(%dma_wait3A_582 : memref<1000000xf32, #tpu.memory_space<hbm>>) dst(%dma_wait3A_578 : memref<512xf32, #tpu.memory_space<vmem>>)
    %dma_wait3A_583 = arith.constant 7168 : i32
    %dma_wait3A_584 = tpu.memref_slice %arg7[%dma_wait3A_583] : memref<10752xf32, #tpu.memory_space<vmem>> -> memref<512xf32, #tpu.memory_space<vmem>>
    %dma_wait3A_585 = arith.constant 7168 : i32
    %dma_wait3A_586 = tpu.memref_slice %arg6[%dma_wait3A_585] : memref<10752xi32, #tpu.memory_space<vmem>> -> memref<512xi32, #tpu.memory_space<vmem>>
    %dma_wait3A_587 = arith.constant 0 : i32
    %dma_wait3A_588 = tpu.memref_slice %arg2[%dma_wait3A_587] : memref<1000000xf32, #tpu.memory_space<hbm>> -> memref<1000000xf32, #tpu.memory_space<hbm>>
    tpu.wait_indirect_dma semaphore(%arg10 : memref<!tpu.dma_semaphore, #tpu.memory_space<semaphore_mem>>) src(%dma_wait3A_588 : memref<1000000xf32, #tpu.memory_space<hbm>>) dst(%dma_wait3A_584 : memref<512xf32, #tpu.memory_space<vmem>>)
    %dma_wait3A_589 = arith.constant 7680 : i32
    %dma_wait3A_590 = tpu.memref_slice %arg7[%dma_wait3A_589] : memref<10752xf32, #tpu.memory_space<vmem>> -> memref<512xf32, #tpu.memory_space<vmem>>
    %dma_wait3A_591 = arith.constant 7680 : i32
    %dma_wait3A_592 = tpu.memref_slice %arg6[%dma_wait3A_591] : memref<10752xi32, #tpu.memory_space<vmem>> -> memref<512xi32, #tpu.memory_space<vmem>>
    %dma_wait3A_593 = arith.constant 0 : i32
    %dma_wait3A_594 = tpu.memref_slice %arg2[%dma_wait3A_593] : memref<1000000xf32, #tpu.memory_space<hbm>> -> memref<1000000xf32, #tpu.memory_space<hbm>>
    tpu.wait_indirect_dma semaphore(%arg10 : memref<!tpu.dma_semaphore, #tpu.memory_space<semaphore_mem>>) src(%dma_wait3A_594 : memref<1000000xf32, #tpu.memory_space<hbm>>) dst(%dma_wait3A_590 : memref<512xf32, #tpu.memory_space<vmem>>)
    %dma_wait3A_595 = arith.constant 8192 : i32
    %dma_wait3A_596 = tpu.memref_slice %arg7[%dma_wait3A_595] : memref<10752xf32, #tpu.memory_space<vmem>> -> memref<512xf32, #tpu.memory_space<vmem>>
    %dma_wait3A_597 = arith.constant 8192 : i32
    %dma_wait3A_598 = tpu.memref_slice %arg6[%dma_wait3A_597] : memref<10752xi32, #tpu.memory_space<vmem>> -> memref<512xi32, #tpu.memory_space<vmem>>
    %dma_wait3A_599 = arith.constant 0 : i32
    %dma_wait3A_600 = tpu.memref_slice %arg2[%dma_wait3A_599] : memref<1000000xf32, #tpu.memory_space<hbm>> -> memref<1000000xf32, #tpu.memory_space<hbm>>
    tpu.wait_indirect_dma semaphore(%arg10 : memref<!tpu.dma_semaphore, #tpu.memory_space<semaphore_mem>>) src(%dma_wait3A_600 : memref<1000000xf32, #tpu.memory_space<hbm>>) dst(%dma_wait3A_596 : memref<512xf32, #tpu.memory_space<vmem>>)
    %dma_wait3A_601 = arith.constant 8704 : i32
    %dma_wait3A_602 = tpu.memref_slice %arg7[%dma_wait3A_601] : memref<10752xf32, #tpu.memory_space<vmem>> -> memref<512xf32, #tpu.memory_space<vmem>>
    %dma_wait3A_603 = arith.constant 8704 : i32
    %dma_wait3A_604 = tpu.memref_slice %arg6[%dma_wait3A_603] : memref<10752xi32, #tpu.memory_space<vmem>> -> memref<512xi32, #tpu.memory_space<vmem>>
    %dma_wait3A_605 = arith.constant 0 : i32
    %dma_wait3A_606 = tpu.memref_slice %arg2[%dma_wait3A_605] : memref<1000000xf32, #tpu.memory_space<hbm>> -> memref<1000000xf32, #tpu.memory_space<hbm>>
    tpu.wait_indirect_dma semaphore(%arg10 : memref<!tpu.dma_semaphore, #tpu.memory_space<semaphore_mem>>) src(%dma_wait3A_606 : memref<1000000xf32, #tpu.memory_space<hbm>>) dst(%dma_wait3A_602 : memref<512xf32, #tpu.memory_space<vmem>>)
    %dma_wait3A_607 = arith.constant 9216 : i32
    %dma_wait3A_608 = tpu.memref_slice %arg7[%dma_wait3A_607] : memref<10752xf32, #tpu.memory_space<vmem>> -> memref<512xf32, #tpu.memory_space<vmem>>
    %dma_wait3A_609 = arith.constant 9216 : i32
    %dma_wait3A_610 = tpu.memref_slice %arg6[%dma_wait3A_609] : memref<10752xi32, #tpu.memory_space<vmem>> -> memref<512xi32, #tpu.memory_space<vmem>>
    %dma_wait3A_611 = arith.constant 0 : i32
    %dma_wait3A_612 = tpu.memref_slice %arg2[%dma_wait3A_611] : memref<1000000xf32, #tpu.memory_space<hbm>> -> memref<1000000xf32, #tpu.memory_space<hbm>>
    tpu.wait_indirect_dma semaphore(%arg10 : memref<!tpu.dma_semaphore, #tpu.memory_space<semaphore_mem>>) src(%dma_wait3A_612 : memref<1000000xf32, #tpu.memory_space<hbm>>) dst(%dma_wait3A_608 : memref<512xf32, #tpu.memory_space<vmem>>)
    %dma_wait3A_613 = arith.constant 9728 : i32
    %dma_wait3A_614 = tpu.memref_slice %arg7[%dma_wait3A_613] : memref<10752xf32, #tpu.memory_space<vmem>> -> memref<512xf32, #tpu.memory_space<vmem>>
    %dma_wait3A_615 = arith.constant 9728 : i32
    %dma_wait3A_616 = tpu.memref_slice %arg6[%dma_wait3A_615] : memref<10752xi32, #tpu.memory_space<vmem>> -> memref<512xi32, #tpu.memory_space<vmem>>
    %dma_wait3A_617 = arith.constant 0 : i32
    %dma_wait3A_618 = tpu.memref_slice %arg2[%dma_wait3A_617] : memref<1000000xf32, #tpu.memory_space<hbm>> -> memref<1000000xf32, #tpu.memory_space<hbm>>
    tpu.wait_indirect_dma semaphore(%arg10 : memref<!tpu.dma_semaphore, #tpu.memory_space<semaphore_mem>>) src(%dma_wait3A_618 : memref<1000000xf32, #tpu.memory_space<hbm>>) dst(%dma_wait3A_614 : memref<512xf32, #tpu.memory_space<vmem>>)
    %dma_wait3A_619 = arith.constant 10240 : i32
    %dma_wait3A_620 = tpu.memref_slice %arg7[%dma_wait3A_619] : memref<10752xf32, #tpu.memory_space<vmem>> -> memref<512xf32, #tpu.memory_space<vmem>>
    %dma_wait3A_621 = arith.constant 10240 : i32
    %dma_wait3A_622 = tpu.memref_slice %arg6[%dma_wait3A_621] : memref<10752xi32, #tpu.memory_space<vmem>> -> memref<512xi32, #tpu.memory_space<vmem>>
    %dma_wait3A_623 = arith.constant 0 : i32
    %dma_wait3A_624 = tpu.memref_slice %arg2[%dma_wait3A_623] : memref<1000000xf32, #tpu.memory_space<hbm>> -> memref<1000000xf32, #tpu.memory_space<hbm>>
    tpu.wait_indirect_dma semaphore(%arg10 : memref<!tpu.dma_semaphore, #tpu.memory_space<semaphore_mem>>) src(%dma_wait3A_624 : memref<1000000xf32, #tpu.memory_space<hbm>>) dst(%dma_wait3A_620 : memref<512xf32, #tpu.memory_space<vmem>>)
    %scan3A = arith.constant 0 : i32
    %scan3A_625 = arith.constant 32 : i32
    %scan3A_626 = arith.addi %scan3A, %scan3A_625 : i32
    %scan3A_627 = arith.constant 1 : i32
    scf.for %scan3A_629 = %scan3A to %scan3A_626 step %scan3A_627  : i32 {
      %mul3A_630 = arith.constant 16 : i32
      %mul3A_631 = arith.muli %scan3A_629, %mul3A_630 : i32
      %add3A_632 = arith.constant 0 : i32
      %add3A_633 = arith.addi %add3A_632, %mul3A_631 : i32
      %get3A = arith.index_cast %add3A_633 : i32 to index
      %get3A_634 = tpu.vector_load %arg7[%get3A] {strides = array<i32>} : memref<10752xf32, #tpu.memory_space<vmem>>, vector<16xf32>,
      %get3A_635 = vector.shape_cast %get3A_634 : vector<16xf32> to vector<16xf32>
      %neg3A = arith.constant 0.000000e+00 : f32
      %neg3A_636 = vector.broadcast %neg3A : f32 to vector<16xf32>
      %neg3A_637 = arith.subf %neg3A_636, %get3A_635 : vector<16xf32>
      %exp3A = math.exp %neg3A_637 : vector<16xf32>
      %add3A_638 = arith.constant 1.000000e+00 : f32
      %add3A_639 = vector.broadcast %add3A_638 : f32 to vector<16xf32>
      %add3A_640 = arith.addf %add3A_639, %exp3A : vector<16xf32>
      %add3A_641 = arith.constant 512 : i32
      %add3A_642 = arith.addi %add3A_641, %add3A_633 : i32
      %get3A_643 = arith.index_cast %add3A_642 : i32 to index
      %get3A_644 = tpu.vector_load %arg7[%get3A_643] {strides = array<i32>} : memref<10752xf32, #tpu.memory_space<vmem>>, vector<16xf32>,
      %get3A_645 = vector.shape_cast %get3A_644 : vector<16xf32> to vector<16xf32>
      %exp3A_646 = math.exp %get3A_645 : vector<16xf32>
      %add3A_647 = arith.constant 1.000000e+00 : f32
      %add3A_648 = vector.broadcast %add3A_647 : f32 to vector<16xf32>
      %add3A_649 = arith.addf %add3A_648, %exp3A_646 : vector<16xf32>
      %mul3A_650 = arith.mulf %add3A_640, %add3A_649 : vector<16xf32>
      %add3A_651 = arith.constant 1024 : i32
      %add3A_652 = arith.addi %add3A_651, %add3A_633 : i32
      %get3A_653 = arith.index_cast %add3A_652 : i32 to index
      %get3A_654 = tpu.vector_load %arg7[%get3A_653] {strides = array<i32>} : memref<10752xf32, #tpu.memory_space<vmem>>, vector<16xf32>,
      %get3A_655 = vector.shape_cast %get3A_654 : vector<16xf32> to vector<16xf32>
      %exp3A_656 = math.exp %get3A_655 : vector<16xf32>
      %add3A_657 = arith.constant 1.000000e+00 : f32
      %add3A_658 = vector.broadcast %add3A_657 : f32 to vector<16xf32>
      %add3A_659 = arith.addf %add3A_658, %exp3A_656 : vector<16xf32>
      %mul3A_660 = arith.mulf %mul3A_650, %add3A_659 : vector<16xf32>
      %add3A_661 = arith.constant 1536 : i32
      %add3A_662 = arith.addi %add3A_661, %add3A_633 : i32
      %get3A_663 = arith.index_cast %add3A_662 : i32 to index
      %get3A_664 = tpu.vector_load %arg7[%get3A_663] {strides = array<i32>} : memref<10752xf32, #tpu.memory_space<vmem>>, vector<16xf32>,
      %get3A_665 = vector.shape_cast %get3A_664 : vector<16xf32> to vector<16xf32>
      %exp3A_666 = math.exp %get3A_665 : vector<16xf32>
      %add3A_667 = arith.constant 1.000000e+00 : f32
      %add3A_668 = vector.broadcast %add3A_667 : f32 to vector<16xf32>
      %add3A_669 = arith.addf %add3A_668, %exp3A_666 : vector<16xf32>
      %mul3A_670 = arith.mulf %mul3A_660, %add3A_669 : vector<16xf32>
      %add3A_671 = arith.constant 2048 : i32
      %add3A_672 = arith.addi %add3A_671, %add3A_633 : i32
      %get3A_673 = arith.index_cast %add3A_672 : i32 to index
      %get3A_674 = tpu.vector_load %arg7[%get3A_673] {strides = array<i32>} : memref<10752xf32, #tpu.memory_space<vmem>>, vector<16xf32>,
      %get3A_675 = vector.shape_cast %get3A_674 : vector<16xf32> to vector<16xf32>
      %exp3A_676 = math.exp %get3A_675 : vector<16xf32>
      %add3A_677 = arith.constant 1.000000e+00 : f32
      %add3A_678 = vector.broadcast %add3A_677 : f32 to vector<16xf32>
      %add3A_679 = arith.addf %add3A_678, %exp3A_676 : vector<16xf32>
      %mul3A_680 = arith.mulf %mul3A_670, %add3A_679 : vector<16xf32>
      %add3A_681 = arith.constant 2560 : i32
      %add3A_682 = arith.addi %add3A_681, %add3A_633 : i32
      %get3A_683 = arith.index_cast %add3A_682 : i32 to index
      %get3A_684 = tpu.vector_load %arg7[%get3A_683] {strides = array<i32>} : memref<10752xf32, #tpu.memory_space<vmem>>, vector<16xf32>,
      %get3A_685 = vector.shape_cast %get3A_684 : vector<16xf32> to vector<16xf32>
      %exp3A_686 = math.exp %get3A_685 : vector<16xf32>
      %add3A_687 = arith.constant 1.000000e+00 : f32
      %add3A_688 = vector.broadcast %add3A_687 : f32 to vector<16xf32>
      %add3A_689 = arith.addf %add3A_688, %exp3A_686 : vector<16xf32>
      %mul3A_690 = arith.mulf %mul3A_680, %add3A_689 : vector<16xf32>
      %add3A_691 = arith.constant 3072 : i32
      %add3A_692 = arith.addi %add3A_691, %add3A_633 : i32
      %get3A_693 = arith.index_cast %add3A_692 : i32 to index
      %get3A_694 = tpu.vector_load %arg7[%get3A_693] {strides = array<i32>} : memref<10752xf32, #tpu.memory_space<vmem>>, vector<16xf32>,
      %get3A_695 = vector.shape_cast %get3A_694 : vector<16xf32> to vector<16xf32>
      %exp3A_696 = math.exp %get3A_695 : vector<16xf32>
      %add3A_697 = arith.constant 1.000000e+00 : f32
      %add3A_698 = vector.broadcast %add3A_697 : f32 to vector<16xf32>
      %add3A_699 = arith.addf %add3A_698, %exp3A_696 : vector<16xf32>
      %mul3A_700 = arith.mulf %mul3A_690, %add3A_699 : vector<16xf32>
      %add3A_701 = arith.constant 3584 : i32
      %add3A_702 = arith.addi %add3A_701, %add3A_633 : i32
      %get3A_703 = arith.index_cast %add3A_702 : i32 to index
      %get3A_704 = tpu.vector_load %arg7[%get3A_703] {strides = array<i32>} : memref<10752xf32, #tpu.memory_space<vmem>>, vector<16xf32>,
      %get3A_705 = vector.shape_cast %get3A_704 : vector<16xf32> to vector<16xf32>
      %exp3A_706 = math.exp %get3A_705 : vector<16xf32>
      %add3A_707 = arith.constant 1.000000e+00 : f32
      %add3A_708 = vector.broadcast %add3A_707 : f32 to vector<16xf32>
      %add3A_709 = arith.addf %add3A_708, %exp3A_706 : vector<16xf32>
      %mul3A_710 = arith.mulf %mul3A_700, %add3A_709 : vector<16xf32>
      %add3A_711 = arith.constant 4096 : i32
      %add3A_712 = arith.addi %add3A_711, %add3A_633 : i32
      %get3A_713 = arith.index_cast %add3A_712 : i32 to index
      %get3A_714 = tpu.vector_load %arg7[%get3A_713] {strides = array<i32>} : memref<10752xf32, #tpu.memory_space<vmem>>, vector<16xf32>,
      %get3A_715 = vector.shape_cast %get3A_714 : vector<16xf32> to vector<16xf32>
      %exp3A_716 = math.exp %get3A_715 : vector<16xf32>
      %add3A_717 = arith.constant 1.000000e+00 : f32
      %add3A_718 = vector.broadcast %add3A_717 : f32 to vector<16xf32>
      %add3A_719 = arith.addf %add3A_718, %exp3A_716 : vector<16xf32>
      %mul3A_720 = arith.mulf %mul3A_710, %add3A_719 : vector<16xf32>
      %add3A_721 = arith.constant 4608 : i32
      %add3A_722 = arith.addi %add3A_721, %add3A_633 : i32
      %get3A_723 = arith.index_cast %add3A_722 : i32 to index
      %get3A_724 = tpu.vector_load %arg7[%get3A_723] {strides = array<i32>} : memref<10752xf32, #tpu.memory_space<vmem>>, vector<16xf32>,
      %get3A_725 = vector.shape_cast %get3A_724 : vector<16xf32> to vector<16xf32>
      %exp3A_726 = math.exp %get3A_725 : vector<16xf32>
      %add3A_727 = arith.constant 1.000000e+00 : f32
      %add3A_728 = vector.broadcast %add3A_727 : f32 to vector<16xf32>
      %add3A_729 = arith.addf %add3A_728, %exp3A_726 : vector<16xf32>
      %mul3A_730 = arith.mulf %mul3A_720, %add3A_729 : vector<16xf32>
      %add3A_731 = arith.constant 5120 : i32
      %add3A_732 = arith.addi %add3A_731, %add3A_633 : i32
      %get3A_733 = arith.index_cast %add3A_732 : i32 to index
      %get3A_734 = tpu.vector_load %arg7[%get3A_733] {strides = array<i32>} : memref<10752xf32, #tpu.memory_space<vmem>>, vector<16xf32>,
      %get3A_735 = vector.shape_cast %get3A_734 : vector<16xf32> to vector<16xf32>
      %exp3A_736 = math.exp %get3A_735 : vector<16xf32>
      %add3A_737 = arith.constant 1.000000e+00 : f32
      %add3A_738 = vector.broadcast %add3A_737 : f32 to vector<16xf32>
      %add3A_739 = arith.addf %add3A_738, %exp3A_736 : vector<16xf32>
      %mul3A_740 = arith.mulf %mul3A_730, %add3A_739 : vector<16xf32>
      %add3A_741 = arith.constant 5632 : i32
      %add3A_742 = arith.addi %add3A_741, %add3A_633 : i32
      %get3A_743 = arith.index_cast %add3A_742 : i32 to index
      %get3A_744 = tpu.vector_load %arg7[%get3A_743] {strides = array<i32>} : memref<10752xf32, #tpu.memory_space<vmem>>, vector<16xf32>,
      %get3A_745 = vector.shape_cast %get3A_744 : vector<16xf32> to vector<16xf32>
      %exp3A_746 = math.exp %get3A_745 : vector<16xf32>
      %add3A_747 = arith.constant 1.000000e+00 : f32
      %add3A_748 = vector.broadcast %add3A_747 : f32 to vector<16xf32>
      %add3A_749 = arith.addf %add3A_748, %exp3A_746 : vector<16xf32>
      %mul3A_750 = arith.mulf %mul3A_740, %add3A_749 : vector<16xf32>
      %add3A_751 = arith.constant 6144 : i32
      %add3A_752 = arith.addi %add3A_751, %add3A_633 : i32
      %get3A_753 = arith.index_cast %add3A_752 : i32 to index
      %get3A_754 = tpu.vector_load %arg7[%get3A_753] {strides = array<i32>} : memref<10752xf32, #tpu.memory_space<vmem>>, vector<16xf32>,
      %get3A_755 = vector.shape_cast %get3A_754 : vector<16xf32> to vector<16xf32>
      %exp3A_756 = math.exp %get3A_755 : vector<16xf32>
      %add3A_757 = arith.constant 1.000000e+00 : f32
      %add3A_758 = vector.broadcast %add3A_757 : f32 to vector<16xf32>
      %add3A_759 = arith.addf %add3A_758, %exp3A_756 : vector<16xf32>
      %mul3A_760 = arith.mulf %mul3A_750, %add3A_759 : vector<16xf32>
      %add3A_761 = arith.constant 6656 : i32
      %add3A_762 = arith.addi %add3A_761, %add3A_633 : i32
      %get3A_763 = arith.index_cast %add3A_762 : i32 to index
      %get3A_764 = tpu.vector_load %arg7[%get3A_763] {strides = array<i32>} : memref<10752xf32, #tpu.memory_space<vmem>>, vector<16xf32>,
      %get3A_765 = vector.shape_cast %get3A_764 : vector<16xf32> to vector<16xf32>
      %exp3A_766 = math.exp %get3A_765 : vector<16xf32>
      %add3A_767 = arith.constant 1.000000e+00 : f32
      %add3A_768 = vector.broadcast %add3A_767 : f32 to vector<16xf32>
      %add3A_769 = arith.addf %add3A_768, %exp3A_766 : vector<16xf32>
      %mul3A_770 = arith.mulf %mul3A_760, %add3A_769 : vector<16xf32>
      %add3A_771 = arith.constant 7168 : i32
      %add3A_772 = arith.addi %add3A_771, %add3A_633 : i32
      %get3A_773 = arith.index_cast %add3A_772 : i32 to index
      %get3A_774 = tpu.vector_load %arg7[%get3A_773] {strides = array<i32>} : memref<10752xf32, #tpu.memory_space<vmem>>, vector<16xf32>,
      %get3A_775 = vector.shape_cast %get3A_774 : vector<16xf32> to vector<16xf32>
      %exp3A_776 = math.exp %get3A_775 : vector<16xf32>
      %add3A_777 = arith.constant 1.000000e+00 : f32
      %add3A_778 = vector.broadcast %add3A_777 : f32 to vector<16xf32>
      %add3A_779 = arith.addf %add3A_778, %exp3A_776 : vector<16xf32>
      %mul3A_780 = arith.mulf %mul3A_770, %add3A_779 : vector<16xf32>
      %add3A_781 = arith.constant 7680 : i32
      %add3A_782 = arith.addi %add3A_781, %add3A_633 : i32
      %get3A_783 = arith.index_cast %add3A_782 : i32 to index
      %get3A_784 = tpu.vector_load %arg7[%get3A_783] {strides = array<i32>} : memref<10752xf32, #tpu.memory_space<vmem>>, vector<16xf32>,
      %get3A_785 = vector.shape_cast %get3A_784 : vector<16xf32> to vector<16xf32>
      %exp3A_786 = math.exp %get3A_785 : vector<16xf32>
      %add3A_787 = arith.constant 1.000000e+00 : f32
      %add3A_788 = vector.broadcast %add3A_787 : f32 to vector<16xf32>
      %add3A_789 = arith.addf %add3A_788, %exp3A_786 : vector<16xf32>
      %mul3A_790 = arith.mulf %mul3A_780, %add3A_789 : vector<16xf32>
      %add3A_791 = arith.constant 8192 : i32
      %add3A_792 = arith.addi %add3A_791, %add3A_633 : i32
      %get3A_793 = arith.index_cast %add3A_792 : i32 to index
      %get3A_794 = tpu.vector_load %arg7[%get3A_793] {strides = array<i32>} : memref<10752xf32, #tpu.memory_space<vmem>>, vector<16xf32>,
      %get3A_795 = vector.shape_cast %get3A_794 : vector<16xf32> to vector<16xf32>
      %exp3A_796 = math.exp %get3A_795 : vector<16xf32>
      %add3A_797 = arith.constant 1.000000e+00 : f32
      %add3A_798 = vector.broadcast %add3A_797 : f32 to vector<16xf32>
      %add3A_799 = arith.addf %add3A_798, %exp3A_796 : vector<16xf32>
      %mul3A_800 = arith.mulf %mul3A_790, %add3A_799 : vector<16xf32>
      %add3A_801 = arith.constant 8704 : i32
      %add3A_802 = arith.addi %add3A_801, %add3A_633 : i32
      %get3A_803 = arith.index_cast %add3A_802 : i32 to index
      %get3A_804 = tpu.vector_load %arg7[%get3A_803] {strides = array<i32>} : memref<10752xf32, #tpu.memory_space<vmem>>, vector<16xf32>,
      %get3A_805 = vector.shape_cast %get3A_804 : vector<16xf32> to vector<16xf32>
      %exp3A_806 = math.exp %get3A_805 : vector<16xf32>
      %add3A_807 = arith.constant 1.000000e+00 : f32
      %add3A_808 = vector.broadcast %add3A_807 : f32 to vector<16xf32>
      %add3A_809 = arith.addf %add3A_808, %exp3A_806 : vector<16xf32>
      %mul3A_810 = arith.mulf %mul3A_800, %add3A_809 : vector<16xf32>
      %add3A_811 = arith.constant 9216 : i32
      %add3A_812 = arith.addi %add3A_811, %add3A_633 : i32
      %get3A_813 = arith.index_cast %add3A_812 : i32 to index
      %get3A_814 = tpu.vector_load %arg7[%get3A_813] {strides = array<i32>} : memref<10752xf32, #tpu.memory_space<vmem>>, vector<16xf32>,
      %get3A_815 = vector.shape_cast %get3A_814 : vector<16xf32> to vector<16xf32>
      %exp3A_816 = math.exp %get3A_815 : vector<16xf32>
      %add3A_817 = arith.constant 1.000000e+00 : f32
      %add3A_818 = vector.broadcast %add3A_817 : f32 to vector<16xf32>
      %add3A_819 = arith.addf %add3A_818, %exp3A_816 : vector<16xf32>
      %mul3A_820 = arith.mulf %mul3A_810, %add3A_819 : vector<16xf32>
      %add3A_821 = arith.constant 9728 : i32
      %add3A_822 = arith.addi %add3A_821, %add3A_633 : i32
      %get3A_823 = arith.index_cast %add3A_822 : i32 to index
      %get3A_824 = tpu.vector_load %arg7[%get3A_823] {strides = array<i32>} : memref<10752xf32, #tpu.memory_space<vmem>>, vector<16xf32>,
      %get3A_825 = vector.shape_cast %get3A_824 : vector<16xf32> to vector<16xf32>
      %exp3A_826 = math.exp %get3A_825 : vector<16xf32>
      %add3A_827 = arith.constant 1.000000e+00 : f32
      %add3A_828 = vector.broadcast %add3A_827 : f32 to vector<16xf32>
      %add3A_829 = arith.addf %add3A_828, %exp3A_826 : vector<16xf32>
      %mul3A_830 = arith.mulf %mul3A_820, %add3A_829 : vector<16xf32>
      %add3A_831 = arith.constant 10240 : i32
      %add3A_832 = arith.addi %add3A_831, %add3A_633 : i32
      %get3A_833 = arith.index_cast %add3A_832 : i32 to index
      %get3A_834 = tpu.vector_load %arg7[%get3A_833] {strides = array<i32>} : memref<10752xf32, #tpu.memory_space<vmem>>, vector<16xf32>,
      %get3A_835 = vector.shape_cast %get3A_834 : vector<16xf32> to vector<16xf32>
      %exp3A_836 = math.exp %get3A_835 : vector<16xf32>
      %add3A_837 = arith.constant 1.000000e+00 : f32
      %add3A_838 = vector.broadcast %add3A_837 : f32 to vector<16xf32>
      %add3A_839 = arith.addf %add3A_838, %exp3A_836 : vector<16xf32>
      %mul3A_840 = arith.mulf %mul3A_830, %add3A_839 : vector<16xf32>
      %swap3A = arith.index_cast %add3A_633 : i32 to index
      %swap3A_841 = tpu.vector_load %arg8[%swap3A] {strides = array<i32>} : memref<512xf32, #tpu.memory_space<vmem>>, vector<16xf32>,
      %swap3A_842 = vector.shape_cast %swap3A_841 : vector<16xf32> to vector<16xf32>
      %swap3A_843 = vector.shape_cast %mul3A_840 : vector<16xf32> to vector<16xf32>
      tpu.vector_store %arg8[%swap3A], %swap3A_843 {strides = array<i32>} : memref<512xf32, #tpu.memory_space<vmem>>, vector<16xf32>,
    }
    %scan3A_628 = arith.constant 32 : i32
    "tpu.region"() ({
      %run_scoped3A = tpu.sem_alloc : memref<!tpu.dma_semaphore, #tpu.memory_space<semaphore_mem>>
      %dma_start3A_629 = tpu.memref_slice %arg5[%mul3A_2] : memref<16384xf32, #tpu.memory_space<hbm>> -> memref<512xf32, #tpu.memory_space<hbm>>
      %dma_start3A_630 = tpu.memref_slice %arg5[%mul3A_2] : memref<16384xf32, #tpu.memory_space<hbm>> -> memref<512xf32, #tpu.memory_space<hbm>>
      tpu.enqueue_dma source(%arg8 : memref<512xf32, #tpu.memory_space<vmem>>) target(%dma_start3A_630 : memref<512xf32, #tpu.memory_space<hbm>>) target_semaphore(%run_scoped3A : memref<!tpu.dma_semaphore, #tpu.memory_space<semaphore_mem>>)
      %dma_wait3A_631 = tpu.memref_slice %arg5[%mul3A_2] : memref<16384xf32, #tpu.memory_space<hbm>> -> memref<512xf32, #tpu.memory_space<hbm>>
      %dma_wait3A_632 = tpu.memref_slice %arg5[%mul3A_2] : memref<16384xf32, #tpu.memory_space<hbm>> -> memref<512xf32, #tpu.memory_space<hbm>>
      tpu.wait_dma2 semaphore(%run_scoped3A : memref<!tpu.dma_semaphore, #tpu.memory_space<semaphore_mem>>) src(%arg8 : memref<512xf32, #tpu.memory_space<vmem>>) dst(%dma_wait3A_632 : memref<512xf32, #tpu.memory_space<hbm>>)
      tpu.yield
    }) : () -> ()
    return
  }
}

module attributes {stable_mosaic.version = 14 : i64} {
  func.func @body(%arg0: memref<128x128xf32, #tpu.memory_space<vmem>>, %arg1: memref<128x128xf32, #tpu.memory_space<vmem>>) attributes {dimension_semantics = [], scalar_prefetch = 0 : i64, scratch_operands = 0 : i64, tpu.core_type = #tpu.core_type<tc>} {
    %get3A = arith.constant 0 : index
    %get3A_0 = arith.constant 0 : index
    %get3A_1 = vector.load %arg0[%get3A, %get3A_0] : memref<128x128xf32, #tpu.memory_space<vmem>>, vector<128x128xf32>
    %log3A = math.log %get3A_1 : vector<128x128xf32>
    %swap3A = arith.constant 0 : index
    %swap3A_2 = arith.constant 0 : index
    %swap3A_3 = vector.load %arg1[%swap3A, %swap3A_2] : memref<128x128xf32, #tpu.memory_space<vmem>>, vector<128x128xf32>
    tpu.vector_store %arg1[%swap3A, %swap3A_2], %log3A {strides = array<i32>} : memref<128x128xf32, #tpu.memory_space<vmem>>, vector<128x128xf32>,
    return
  }
}

</mosaic_0001>

<sc_bundles>
// kernel: kernel.4.cloned.1.call-start
scs
__scs_entry_jumppad:
0x0: {  	(pc) =	sbr.rel $0x88, $3  }
0x1: {  	(tag) =	ssettag $0x0;
	lr =	simm.s32 $0x1  }
0x2: {  	[smem:$0x3F9E] =	sst lr;
	_ =	strace $0xD0000000  }
0x3: {  	_ = 	snop  }
0x4: {  	_ = 	snop  }
0x5: {  	_ = 	snop  }
0x6: {  	_ = 	snop  }
0x7: {  	_ = 	snop  }
__scs_overlays_trampoline_lowered:
0x8: {  	[smem:$0x3FAD] =	sst s0  }
0x9: {  	[smem:$0x3FAE] =	sst s1  }
0xa: {  	[smem:$0x3FAF] =	sst s2  }
0xb: {  	[smem:$0x3FB0] =	sst s3  }
0xc: {  	[smem:$0x3FB1] =	sst s4  }
0xd: {  	[smem:$0x3FB2] =	sst s5  }
0xe: {  	[smem:$0x3FB3] =	sst s6  }
0xf: {  	[smem:$0x3FB4] =	sst s7  }
0x10: {  	[smem:$0x3FB5] =	sst s8  }
0x11: {  	[smem:$0x3FB6] =	sst s9;
	s0 =	simm.s32 @!p0 $0x0  }
0x12: {  	s1 =	sld [smem:$0x3F9C];
	s0 =	simm.s32 @p0 $0x1  }
0x13: {  	[smem:$0x3FB7] =	sst s0;
	s0 =	simm.s32 @!p1 $0x0  }
0x14: {  	s2 =	sld [smem:$0x3F9B];
	s0 =	simm.s32 @p1 $0x1  }
0x15: {  	[smem:$0x3FB8] =	sst s0;
	s0 =	simm.s32 @!p2 $0x0  }
0x16: {  	s3 =	sld [smem:$0x3FDB];
	s0 =	simm.s32 @p2 $0x1  }
0x17: {  	s4 =	simm.s32 $0x1BF5;
	[smem:$0x3FBA] =	sst s0  }
0x18: {  	s0 =	sld [smem:$0x3F9D];
	_ =	swait.ge [sflag:s4], $0x0  }
0x19: {  	s7 =	sld [smem:$0x3F9E]  }
0x1a: {  	s8 =	sadd.s32 $0xFFFFE003, lr  }
0x1b: {  	s9 =	sadd.s32 $0xFFFFFEF7, lr;
	s5 =	simm.s32 $0xFFFFFFFF;
	p2 =	slt.u32 s8, $0xFFFFF086  }
0x1c: {  	p1 =	slt.u32 s9, $0xF7A;
	s5 =	simm.s32 @!p2 $0x0  }
0x1d: {  	s5 =	simm.s32 @p1 $0x1;
	p0 =	seq.s32 s7, s2  }
0x1e: {  	s7 =	smul.u32 @!p0 $0xF7A, s2;
	p2 =	seq.s32 @!p0 s5, $0x0  }
0x1f: {  	s9 =	smul.u32 $0xF7A, s1;
	s8 =	simm.s32 @!p0 $0x1BF5;
	p2 =	por !p2, p0  }
0x20: {  	[sflag:s8] =	ssyncset.s32 @!p0 $0xFFFFF086;
	s6 =	sadd.s32 @!p0 s3, s7;
	s7 =	simm.s32 @!p0 $0x108  }
0x21: {  	s3 =	sadd.s32 s3, s9;
	s6 =	sadd.s32 @!p0 $0x88, s6;
	s7 =	simm.s32 @p2 $0x1082  }
0x22: {  	[simem:s7], [sflag:s8] =	dma.local @!p0 [hbm:s6], $0xF7A  }
0x23: {  	s9 =	sor.u32 $0xD0000000, s2;
	s6 =	simm.s32 $0x108;
	_ =	swait.ge @!p0 [sflag:s8], $0x0  }
0x24: {  	s3 =	sadd.s32 $0x88, s3;
	s6 =	simm.s32 @!p1 $0x1082;
	[sflag:s4] =	ssyncset.s32 $0xFFFFF086  }
0x25: {  	[simem:s6], [sflag:s4] =	dma.local [hbm:s3], $0xF7A  }
0x26: {  	[smem:$0x3F9E] =	sst s1;
	(tag) =	ssettag s2;
	_ =	strace s9  }
0x27: {  	s1 =	sld [smem:$0x3FAE]  }
0x28: {  	s2 =	sld [smem:$0x3FAF]  }
0x29: {  	s4 =	sld [smem:$0x3FB1]  }
0x2a: {  	p0 =	seq.s32 s5, $0x0;
	s5 =	sld [smem:$0x3FB2]  }
0x2b: {  	s6 =	sld [smem:$0x3FB3]  }
0x2c: {  	s7 =	sld [smem:$0x3FB4]  }
0x2d: {  	s3 =	simm.s32 $0x108;
	s8 =	sld [smem:$0x3FB5]  }
0x2e: {  	s3 =	simm.s32 @!p0 $0x1082;
	s9 =	sld [smem:$0x3FB6]  }
0x2f: {  	lr =	sadd.s32 s0, s3;
	s0 =	sld [smem:$0x3FAD]  }
0x30: {  	s3 =	sld [smem:$0x3FB0]  }
0x31: {  	[smem:$0x3FB9] =	sst s10  }
0x32: {  	s10 =	sld [smem:$0x3FB7];
	_ =	sdelay $0x3  }
0x33: {  	p0 =	seq.s32 s10, $0x1;
	s10 =	sld [smem:$0x3FB9];
	_ =	sdelay $0x3  }
0x34: {  	[smem:$0x3FB9] =	sst s10  }
0x35: {  	s10 =	sld [smem:$0x3FB8];
	_ =	sdelay $0x3  }
0x36: {  	p1 =	seq.s32 s10, $0x1;
	s10 =	sld [smem:$0x3FB9];
	_ =	sdelay $0x3  }
0x37: {  	[smem:$0x3FB9] =	sst s10  }
0x38: {  	s10 =	sld [smem:$0x3FBA]  }
0x39: {  	_ = 	snop;
	(pc) =	sbr.ind lr, $3  }
0x3a: {  	_ = 	snop  }
0x3b: {  	_ = 	snop  }
0x3c: {  	p2 =	seq.s32 s10, $0x1;
	s10 =	sld [smem:$0x3FB9]  }
0x3d: {  	_ =	shalt  }
0x3e: {  	_ =	shalt  }
0x3f: {  	_ =	shalt  }
0x40: {  	_ =	shalt  }
0x41: {  	_ =	shalt  }
0x42: {  	_ =	shalt  }
0x43: {  	_ =	shalt  }
0x44: {  	_ =	shalt  }
0x45: {  	_ =	shalt  }
0x46: {  	_ =	shalt  }
0x47: {  	_ =	shalt  }
0x48: {  	_ =	shalt  }
0x49: {  	_ =	shalt  }
0x4a: {  	_ =	shalt  }
0x4b: {  	_ =	shalt  }
0x4c: {  	_ =	shalt  }
0x4d: {  	_ =	shalt  }
0x4e: {  	_ =	shalt  }
0x4f: {  	_ =	shalt  }
0x50: {  	_ =	shalt  }
0x51: {  	_ =	shalt  }
0x52: {  	_ =	shalt  }
0x53: {  	_ =	shalt  }
0x54: {  	_ =	shalt  }
0x55: {  	_ =	shalt  }
0x56: {  	_ =	shalt  }
0x57: {  	_ =	shalt  }
0x58: {  	_ =	shalt  }
0x59: {  	_ =	shalt  }
0x5a: {  	_ =	shalt  }
0x5b: {  	_ =	shalt  }
0x5c: {  	_ =	shalt  }
0x5d: {  	_ =	shalt  }
0x5e: {  	_ =	shalt  }
0x5f: {  	_ =	shalt  }
0x60: {  	_ =	shalt  }
0x61: {  	_ =	shalt  }
0x62: {  	_ =	shalt  }
0x63: {  	_ =	shalt  }
0x64: {  	_ =	shalt  }
0x65: {  	_ =	shalt  }
0x66: {  	_ =	shalt  }
0x67: {  	_ =	shalt  }
0x68: {  	_ =	shalt  }
0x69: {  	_ =	shalt  }
0x6a: {  	_ =	shalt  }
0x6b: {  	_ =	shalt  }
0x6c: {  	_ =	shalt  }
0x6d: {  	_ =	shalt  }
0x6e: {  	_ =	shalt  }
0x6f: {  	_ =	shalt  }
0x70: {  	_ =	shalt  }
0x71: {  	_ =	shalt  }
0x72: {  	_ =	shalt  }
0x73: {  	_ =	shalt  }
0x74: {  	_ =	shalt  }
0x75: {  	_ =	shalt  }
0x76: {  	_ =	shalt  }
0x77: {  	_ =	shalt  }
0x78: {  	_ =	shalt  }
0x79: {  	_ =	shalt  }
0x7a: {  	_ =	shalt  }
0x7b: {  	_ =	shalt  }
0x7c: {  	_ =	shalt  }
0x7d: {  	_ =	shalt  }
0x7e: {  	_ =	shalt  }
0x7f: {  	_ =	shalt  }
0x80: {  	_ =	shalt  }
0x81: {  	_ =	shalt  }
0x82: {  	_ =	shalt  }
0x83: {  	_ =	shalt  }
0x84: {  	_ =	shalt  }
0x85: {  	_ =	shalt  }
0x86: {  	_ =	shalt  }
0x87: {  	_ =	shalt  }
.Lfunc_end0:
.L_simem_size_0:
called_computation_lowered:
.L_overlay_start_0:
0x88: {  	s2 =	sld [smem:$0x3FD9]  }
0x89: {  	s3 =	sld [smem:$0x3FFE];
	_ =	sdelay $0x1  }
0x8a: {  	s1 =	srdreg.scid  }
0x8b: {  	s0 =	sand.u32 $0x1, s1  }
0x8c: {  	s18 =	sshll.u32 s0, $0xA;
	s2 =	sadd.s32 s3, s2  }
0x8d: {  	s2 =	sadd.s32 s2, s18  }
0x8e: {  	[smem:$0x3FC5] =	sst s2  }
0x8f: {  	_ = 	snop  }
0x90: {  	s2 =	sld [smem:$0x3FC9]  }
0x91: {  	s19 =	sld [smem:$0x3FC8]  }
0x92: {  	s4 =	sld [smem:$0x3FC7]  }
0x93: {  	s5 =	sld [smem:$0x3FD0];
	(tm) =	ssettm $0x1  }
0x94: {  	s6 =	sld [smem:$0x3FFB];
	_ =	sdelay $0x3  }
0x95: {  	_ =	strace s6  }
0x96: {  	s6 =	sld [smem:$0x3FFC];
	_ =	sdelay $0x3  }
0x97: {  	_ =	strace s6  }
0x98: {  	s6 =	sld [smem:$0x3FFD];
	_ =	sdelay $0x3  }
0x99: {  	_ =	strace s6  }
0x9a: {  	_ =	strace $0x8FFFFFFF  }
0x9b: {  	s20 =	sld [smem:$0x3FDB];
	_ =	sdelay $0x1  }
0x9c: {  	s7 =	simm.s32 $_scs_section_size  }
0x9d: {  	s8 =	simm.s32 $_size__tile_overlayer_lowered;
	s9 =	simm.s32 $_tile_overlayer_lowered  }
0x9e: {  	s23 =	simm.s32 $0x1BFF;
	s22 =	sshll.u32 s9, $0x1;
	s6 =	sadd.s32 s7, s20  }
0x9f: {  	s10 =	simm.s32 $0x0;
	s21 =	sshll.u32 s8, $0x1;
	s8 =	sadd.s32 s22, s6  }
0xa0: {  	[timem:s10], [sflag:s23] =	dma.local [hbm:s8], s21  }
0xa1: {  	_ =	swait.ge [sflag:s23], s21  }
0xa2: {  	s7 =	ssub.s32 $0x0, s21;
	[sflag:s23] =	ssyncset.done $0x0  }
0xa3: {  	[sflag:s23] =	ssyncadd.s32 s7;
	_ =	sdelay $0x1  }
0xa4: {  	s24 =	simm.s32 $0x1B8B  }
0xa5: {  	_ =	swait.ge [sflag:s24], $0x1  }
0xa6: {  	[sflag:s24] =	ssyncset.done $0x0  }
0xa7: {  	s25 =	simm.s32 $0x1B8E;
	[sflag:s24] =	ssyncadd.s32 $0xFFFFFFFF  }
0xa8: {  	s26 =	simm.s32 $execute0_lowered;
	[smem:$0x3FD2] =	sst s25  }
0xa9: {  	s7 =	sshll.u32 s26, $0x1;
	_ =	strace $0x80000046;
	[dreg:$0x1] =	wrdreg $0xFFFFFFFF  }
0xaa: {  	s28 =	simm.s32 $_size_execute0_lowered;
	s6 =	sadd.s32 s6, s7;
	[dreg:$0x0] =	wrdreg $0x0  }
0xab: {  	s7 =	sshll.u32 s28, $0x1;
	[dreg:$0x2] =	wrdreg s6  }
0xac: {  	[dreg:$0x3] =	wrdreg s7  }
0xad: {  	[dreg:$0x4] =	wrdreg $0xC0  }
0xae: {  	_ =	task [dreg:s10], $0x5FFFF  }
0xaf: {  	[dreg:$0x1] =	wrdreg $0xFFFFFFFF  }
0xb0: {  	[dreg:$0x0] =	wrdreg $0x60  }
0xb1: {  	[dreg:$0x2] =	wrdreg s2  }
0xb2: {  	[dreg:$0x3] =	wrdreg s19  }
0xb3: {  	[dreg:$0x4] =	wrdreg s4  }
0xb4: {  	[dreg:$0x5] =	wrdreg s5  }
0xb5: {  	[dreg:$0x6] =	wrdreg $0x9  }
0xb6: {  	_ =	task.clear_ibuf [dreg:s10], $0x7FFFF;
	_ =	strace $0x90000046  }
0xb7: {  	s29 =	simm.s32 $0x9;
	_ =	strace $0x80000048  }
0xb8: {  	_ =	swait.ge [sflag:s29], $0x1  }
0xb9: {  	[sflag:s29] =	ssyncadd.s32 $0xFFFFFFFF  }
0xba: {  	_ =	strace $0x90000048  }
0xbb: {  	_ =	sfence  }
0xbc: {  	s30 =	sld [smem:$0x0];
	_ =	sdelay $0x2  }
0xbd: {  	s31 =	sshll.u32 s1, $0xD;
	s1 =	sshrl.u32 s1, $0x2  }
0xbe: {  	s3 =	sand.u32 $0x4000, s31;
	s1 =	sadd.s32 s1, s30  }
0xbf: {  	s0 =	sor.u32 s3, s0;
	s1 =	sshll.u32 s1, $0x11  }
0xc0: {  	s0 =	sor.u32 s1, s0  }
0xc1: {  	s0 =	sadd.s32 $0x8F2B, s0  }
0xc2: {  	[sflag:s0] =	ssyncadd.remote.s32 $0x1  }
0xc3: {  	_ =	sfence.sel $0xFFFF  }
0xc4: {  	[dreg:$0x0] =	wrdreg $0xFFFFFFFF;
	(pc) =	sbr.abs _section_cstart, $3  }
0xc5: {  	[dreg:$0x1] =	wrdreg $0xFFFFFFFF  }
0xc6: {  	_ =	task.clear_ibuf [dreg:s10], $0x2FFFF;
	_ =	strace $0x9FFFFFFF  }
0xc7: {  	(tm) =	ssettm $0x7FFFFFFF  }
tec
execute0_lowered:
.L_overlay_start_1:
0x0: {  	(tag) =	ssettag $0x1  }
0x1: {  	s1 =	rddreg [dreg:$0x0];
	s4 =	srdreg.scid  }
0x2: {  	s0 =	rddreg [dreg:$0x1];
	s6 =	stileid.u32;
	s4 =	sand.u32 $0x1, s4  }
0x3: {  	s2 =	rddreg [dreg:$0x2];
	s6 =	sshll.u32 s6, $0xA;
	s7 =	sshll.u32 s4, $0x9  }
0x4: {  	s5 =	rddreg [dreg:$0x3];
	s3 =	simm.s32 $0x0;
	s23 =	sor.u32 s7, s6  }
0x5: {  	[smem:$0x7FF] =	sst s3;
	s7 =	sshrl.u32 s23, $0x3  }
0x6: {  	s8 =	ssub.s32 $0x2, s4;
	s4 =	sadd.s32 s2, s23;
	s0 =	sadd.s32 s0, s7  }
0x7: {  	_ =	strace $0x80000047;
	s26 =	sadd.s32 $0x10, s4;
	[dreg:$0x5] =	wrdreg s0  }
0x8: {  	s24 =	sshrl.u32 s8, $0x1;
	s6 =	sadd.s32 $0x20, s4;
	[dreg:$0x6] =	wrdreg s26  }
0x9: {  	s25 =	ssub.s32 s8, s24;
	s8 =	sadd.s32 $0x30, s4;
	[dreg:$0x7] =	wrdreg s6  }
0xa: {  	s9 =	sadd.s32 $0x40, s4;
	[dreg:$0x8] =	wrdreg s8  }
0xb: {  	s10 =	sadd.s32 $0x50, s4;
	[dreg:$0x9] =	wrdreg s9  }
0xc: {  	s11 =	sadd.s32 $0x60, s4;
	[dreg:$0xa] =	wrdreg s10  }
0xd: {  	s12 =	sadd.s32 $0x70, s4;
	[dreg:$0xb] =	wrdreg s11  }
0xe: {  	s13 =	sadd.s32 $0x4000, s4;
	[dreg:$0xc] =	wrdreg s12  }
0xf: {  	s14 =	sadd.s32 $0x4010, s4;
	[dreg:$0xd] =	wrdreg s13  }
0x10: {  	s15 =	sadd.s32 $0x4020, s4;
	[dreg:$0xe] =	wrdreg s14  }
0x11: {  	s16 =	sadd.s32 $0x4030, s4;
	[dreg:$0xf] =	wrdreg s15  }
0x12: {  	s17 =	sadd.s32 $0x4040, s4;
	[dreg:$0x10] =	wrdreg s16  }
0x13: {  	s18 =	sadd.s32 $0x4050, s4;
	[dreg:$0x11] =	wrdreg s17  }
0x14: {  	s19 =	sadd.s32 $0x4060, s4;
	[dreg:$0x12] =	wrdreg s18  }
0x15: {  	s20 =	sadd.s32 $0x4070, s4;
	[dreg:$0x13] =	wrdreg s19  }
0x16: {  	s28 =	simm.s32 $0x80;
	s21 =	sadd.s32 $0x8000, s4;
	[dreg:$0x14] =	wrdreg s20  }
0x17: {  	s29 =	simm.s32 $0x400;
	s22 =	sadd.s32 $0x8010, s4;
	[dreg:$0x15] =	wrdreg s21  }
0x18: {  	s30 =	simm.s32 $0x200;
	s23 =	sadd.s32 s5, s7;
	[dreg:$0x16] =	wrdreg s22  }
0x19: {  	s31 =	simm.s32 $0x1;
	s24 =	sadd.s32 $0x8020, s4;
	[dreg:$0x17] =	wrdreg s23  }
0x1a: {  	s2 =	simm.s32 $0x0;
	s25 =	smax.u32 s25, $0x1;
	[dreg:$0x18] =	wrdreg s24  }
0x1b: {  	s7 =	simm.s32 $0xE00;
	[dreg:$0x19] =	wrdreg s25;
	s26 =	sadd.s32 $0x8030, s4  }
0x1c: {  	s9 =	simm.s32 $0x1400;
	s10 =	simm.s32 $0x1600;
	s11 =	simm.s32 $0x1800  }
0x1d: {  	s12 =	simm.s32 $0x1A00;
	s13 =	simm.s32 $0x1C00;
	s14 =	simm.s32 $0x1E00  }
0x1e: {  	s15 =	simm.s32 $0x2000;
	s16 =	simm.s32 $0x2200;
	s17 =	simm.s32 $0x2400  }
0x1f: {  	s18 =	simm.s32 $0x2600;
	s19 =	simm.s32 $0x2800;
	s20 =	simm.s32 $0x2  }
0x20: {  	s0 =	simm.s32 $0x5400;
	s21 =	simm.s32 $0x3;
	s24 =	simm.s32 $0xC00  }
0x21: {  	s25 =	simm.s32 $0x1000;
	[dreg:$0x1a] =	wrdreg s26;
	s26 =	simm.s32 $0x1200  }
.LBB2_1:
0x22: {  	s5 =	rddreg [dreg:$0x5]  }
0x23: {  	[tilespmem:s3], [sflag:$0x1] =	stream.linear.gather [hbm4b:s5+s3], $0x200, $0x38;
	[tilespmem:$0x5600] =	vst v63  }
0x24: {  	_ = 	snop  }
0x25: {  	[tilespmem:s30], [sflag:$0x1] =	stream.strided.gather [hbm4b:s4+s28], $0x200, s29, s28, $0x38;
	[tilespmem:$0x5600] =	vst v63  }
0x26: {  	s8 =	rddreg [dreg:$0x6]  }
0x27: {  	[tilespmem:s29], [sflag:$0x1] =	stream.strided.gather [hbm4b:s8+s28], $0x200, s29, s28, $0x38;
	[tilespmem:$0x5600] =	vst v63  }
0x28: {  	s22 =	rddreg [dreg:$0x7];
	s6 =	simm.s32 $0x600  }
0x29: {  	[tilespmem:s6], [sflag:$0x1] =	stream.strided.gather [hbm4b:s22+s28], $0x200, s29, s28, $0x38;
	[tilespmem:$0x5600] =	vst v63  }
0x2a: {  	s23 =	rddreg [dreg:$0x8];
	s22 =	simm.s32 $0x800  }
0x2b: {  	[tilespmem:s22], [sflag:$0x1] =	stream.strided.gather [hbm4b:s23+s28], $0x200, s29, s28, $0x38;
	[tilespmem:$0x5600] =	vst v63  }
0x2c: {  	s8 =	rddreg [dreg:$0x9];
	s23 =	simm.s32 $0xA00  }
0x2d: {  	[tilespmem:s23], [sflag:$0x1] =	stream.strided.gather [hbm4b:s8+s28], $0x200, s29, s28, $0x38;
	[tilespmem:$0x5600] =	vst v63  }
0x2e: {  	s8 =	rddreg [dreg:$0xa]  }
0x2f: {  	[tilespmem:s24], [sflag:$0x1] =	stream.strided.gather [hbm4b:s8+s28], $0x200, s29, s28, $0x38;
	[tilespmem:$0x5600] =	vst v63  }
0x30: {  	s8 =	rddreg [dreg:$0xb]  }
0x31: {  	[tilespmem:s7], [sflag:$0x1] =	stream.strided.gather [hbm4b:s8+s28], $0x200, s29, s28, $0x38;
	[tilespmem:$0x5600] =	vst v63  }
0x32: {  	s8 =	rddreg [dreg:$0xc]  }
0x33: {  	[tilespmem:s25], [sflag:$0x1] =	stream.strided.gather [hbm4b:s8+s28], $0x200, s29, s28, $0x38;
	[tilespmem:$0x5600] =	vst v63  }
0x34: {  	s8 =	rddreg [dreg:$0xd]  }
0x35: {  	[tilespmem:s26], [sflag:$0x1] =	stream.strided.gather [hbm4b:s8+s28], $0x200, s29, s28, $0x38;
	[tilespmem:$0x5600] =	vst v63  }
0x36: {  	s8 =	rddreg [dreg:$0xe]  }
0x37: {  	[tilespmem:s9], [sflag:$0x1] =	stream.strided.gather [hbm4b:s8+s28], $0x200, s29, s28, $0x38;
	[tilespmem:$0x5600] =	vst v63  }
0x38: {  	s8 =	rddreg [dreg:$0xf]  }
0x39: {  	[tilespmem:s10], [sflag:$0x1] =	stream.strided.gather [hbm4b:s8+s28], $0x200, s29, s28, $0x38;
	[tilespmem:$0x5600] =	vst v63  }
0x3a: {  	s8 =	rddreg [dreg:$0x10]  }
0x3b: {  	[tilespmem:s11], [sflag:$0x1] =	stream.strided.gather [hbm4b:s8+s28], $0x200, s29, s28, $0x38;
	[tilespmem:$0x5600] =	vst v63  }
0x3c: {  	s8 =	rddreg [dreg:$0x11]  }
0x3d: {  	[tilespmem:s12], [sflag:$0x1] =	stream.strided.gather [hbm4b:s8+s28], $0x200, s29, s28, $0x38;
	[tilespmem:$0x5600] =	vst v63  }
0x3e: {  	s8 =	rddreg [dreg:$0x12]  }
0x3f: {  	[tilespmem:s13], [sflag:$0x1] =	stream.strided.gather [hbm4b:s8+s28], $0x200, s29, s28, $0x38;
	[tilespmem:$0x5600] =	vst v63  }
0x40: {  	s8 =	rddreg [dreg:$0x13]  }
0x41: {  	[tilespmem:s14], [sflag:$0x1] =	stream.strided.gather [hbm4b:s8+s28], $0x200, s29, s28, $0x38;
	[tilespmem:$0x5600] =	vst v63  }
0x42: {  	s8 =	rddreg [dreg:$0x14]  }
0x43: {  	[tilespmem:s15], [sflag:$0x1] =	stream.strided.gather [hbm4b:s8+s28], $0x200, s29, s28, $0x38;
	[tilespmem:$0x5600] =	vst v63  }
0x44: {  	s8 =	rddreg [dreg:$0x15]  }
0x45: {  	[tilespmem:s16], [sflag:$0x1] =	stream.strided.gather [hbm4b:s8+s28], $0x200, s29, s28, $0x38;
	[tilespmem:$0x5600] =	vst v63  }
0x46: {  	s8 =	rddreg [dreg:$0x16]  }
0x47: {  	[tilespmem:s17], [sflag:$0x1] =	stream.strided.gather [hbm4b:s8+s28], $0x200, s29, s28, $0x38;
	[tilespmem:$0x5600] =	vst v63  }
0x48: {  	s8 =	rddreg [dreg:$0x18]  }
0x49: {  	[tilespmem:s18], [sflag:$0x1] =	stream.strided.gather [hbm4b:s8+s28], $0x200, s29, s28, $0x38;
	[tilespmem:$0x5600] =	vst v63  }
0x4a: {  	s8 =	rddreg [dreg:$0x1a]  }
0x4b: {  	[tilespmem:s19], [sflag:$0x1] =	stream.strided.gather [hbm4b:s8+s28], $0x200, s29, s28, $0x38;
	[tilespmem:$0x5600] =	vst v63  }
0x4c: {  	_ =	swait.ge [sflag:s31], $0x200  }
0x4d: {  	[sflag:s31] =	ssyncset.done $0x0  }
0x4e: {  	s5 =	simm.s32 $0x2A00;
	[sflag:s31] =	ssyncadd.s32 $0xFFFFFE00  }
0x4f: {  	[tilespmem:s5], [sflag:$0x2] =	stream.indirect.gather [hbm4b:s1+s30], $0x1, s3, s30, $0xb8;
	[tilespmem:$0x5600] =	vst v63  }
0x50: {  	_ =	swait.ge [sflag:s31], $0x200  }
0x51: {  	[sflag:s31] =	ssyncset.done $0x0  }
0x52: {  	s8 =	simm.s32 $0x2C00;
	[sflag:s31] =	ssyncadd.s32 $0xFFFFFE00  }
0x53: {  	[tilespmem:s8], [sflag:$0x2] =	stream.indirect.gather [hbm4b:s1+s30], $0x1, s30, s30, $0xb8;
	[tilespmem:$0x5600] =	vst v63  }
0x54: {  	_ =	swait.ge [sflag:s31], $0x200  }
0x55: {  	[sflag:s31] =	ssyncset.done $0x0  }
0x56: {  	s8 =	simm.s32 $0x2E00;
	[sflag:s31] =	ssyncadd.s32 $0xFFFFFE00  }
0x57: {  	[tilespmem:s8], [sflag:$0x2] =	stream.indirect.gather [hbm4b:s1+s30], $0x1, s29, s30, $0xb8;
	[tilespmem:$0x5600] =	vst v63  }
0x58: {  	_ =	swait.ge [sflag:s31], $0x200  }
0x59: {  	[sflag:s31] =	ssyncset.done $0x0  }
0x5a: {  	s8 =	simm.s32 $0x3000;
	[sflag:s31] =	ssyncadd.s32 $0xFFFFFE00  }
0x5b: {  	[tilespmem:s8], [sflag:$0x2] =	stream.indirect.gather [hbm4b:s1+s30], $0x1, s6, s30, $0xb8;
	[tilespmem:$0x5600] =	vst v63  }
0x5c: {  	_ =	swait.ge [sflag:s31], $0x200  }
0x5d: {  	[sflag:s31] =	ssyncset.done $0x0  }
0x5e: {  	s8 =	simm.s32 $0x3200;
	[sflag:s31] =	ssyncadd.s32 $0xFFFFFE00  }
0x5f: {  	[tilespmem:s8], [sflag:$0x2] =	stream.indirect.gather [hbm4b:s1+s30], $0x1, s22, s30, $0xb8;
	[tilespmem:$0x5600] =	vst v63  }
0x60: {  	_ =	swait.ge [sflag:s31], $0x200  }
0x61: {  	[sflag:s31] =	ssyncset.done $0x0  }
0x62: {  	s22 =	simm.s32 $0x3400;
	[sflag:s31] =	ssyncadd.s32 $0xFFFFFE00  }
0x63: {  	[tilespmem:s22], [sflag:$0x2] =	stream.indirect.gather [hbm4b:s1+s30], $0x1, s23, s30, $0xb8;
	[tilespmem:$0x5600] =	vst v63  }
0x64: {  	_ =	swait.ge [sflag:s31], $0x200  }
0x65: {  	[sflag:s31] =	ssyncset.done $0x0  }
0x66: {  	s8 =	simm.s32 $0x3600;
	[sflag:s31] =	ssyncadd.s32 $0xFFFFFE00  }
0x67: {  	[tilespmem:s8], [sflag:$0x2] =	stream.indirect.gather [hbm4b:s1+s30], $0x1, s24, s30, $0xb8;
	[tilespmem:$0x5600] =	vst v63  }
0x68: {  	_ =	swait.ge [sflag:s31], $0x200  }
0x69: {  	[sflag:s31] =	ssyncset.done $0x0  }
0x6a: {  	s22 =	simm.s32 $0x3800;
	[sflag:s31] =	ssyncadd.s32 $0xFFFFFE00  }
0x6b: {  	[tilespmem:s22], [sflag:$0x2] =	stream.indirect.gather [hbm4b:s1+s30], $0x1, s7, s30, $0xb8;
	[tilespmem:$0x5600] =	vst v63  }
0x6c: {  	_ =	swait.ge [sflag:s31], $0x200  }
0x6d: {  	[sflag:s31] =	ssyncset.done $0x0  }
0x6e: {  	s23 =	simm.s32 $0x3A00;
	[sflag:s31] =	ssyncadd.s32 $0xFFFFFE00  }
0x6f: {  	[tilespmem:s23], [sflag:$0x2] =	stream.indirect.gather [hbm4b:s1+s30], $0x1, s25, s30, $0xb8;
	[tilespmem:$0x5600] =	vst v63  }
0x70: {  	_ =	swait.ge [sflag:s31], $0x200  }
0x71: {  	[sflag:s31] =	ssyncset.done $0x0  }
0x72: {  	s8 =	simm.s32 $0x3C00;
	[sflag:s31] =	ssyncadd.s32 $0xFFFFFE00  }
0x73: {  	[tilespmem:s8], [sflag:$0x2] =	stream.indirect.gather [hbm4b:s1+s30], $0x1, s26, s30, $0xb8;
	[tilespmem:$0x5600] =	vst v63  }
0x74: {  	_ =	swait.ge [sflag:s31], $0x200  }
0x75: {  	[sflag:s31] =	ssyncset.done $0x0  }
0x76: {  	s22 =	simm.s32 $0x3E00;
	[sflag:s31] =	ssyncadd.s32 $0xFFFFFE00  }
0x77: {  	[tilespmem:s22], [sflag:$0x2] =	stream.indirect.gather [hbm4b:s1+s30], $0x1, s9, s30, $0xb8;
	[tilespmem:$0x5600] =	vst v63  }
0x78: {  	_ =	swait.ge [sflag:s31], $0x200  }
0x79: {  	[sflag:s31] =	ssyncset.done $0x0  }
0x7a: {  	s23 =	simm.s32 $0x4000;
	[sflag:s31] =	ssyncadd.s32 $0xFFFFFE00  }
0x7b: {  	[tilespmem:s23], [sflag:$0x2] =	stream.indirect.gather [hbm4b:s1+s30], $0x1, s10, s30, $0xb8;
	[tilespmem:$0x5600] =	vst v63  }
0x7c: {  	_ =	swait.ge [sflag:s31], $0x200  }
0x7d: {  	[sflag:s31] =	ssyncset.done $0x0  }
0x7e: {  	s8 =	simm.s32 $0x4200;
	[sflag:s31] =	ssyncadd.s32 $0xFFFFFE00  }
0x7f: {  	[tilespmem:s8], [sflag:$0x2] =	stream.indirect.gather [hbm4b:s1+s30], $0x1, s11, s30, $0xb8;
	[tilespmem:$0x5600] =	vst v63  }
0x80: {  	_ =	swait.ge [sflag:s31], $0x200  }
0x81: {  	[sflag:s31] =	ssyncset.done $0x0  }
0x82: {  	s22 =	simm.s32 $0x4400;
	[sflag:s31] =	ssyncadd.s32 $0xFFFFFE00  }
0x83: {  	[tilespmem:s22], [sflag:$0x2] =	stream.indirect.gather [hbm4b:s1+s30], $0x1, s12, s30, $0xb8;
	[tilespmem:$0x5600] =	vst v63  }
0x84: {  	_ =	swait.ge [sflag:s31], $0x200  }
0x85: {  	[sflag:s31] =	ssyncset.done $0x0  }
0x86: {  	s23 =	simm.s32 $0x4600;
	[sflag:s31] =	ssyncadd.s32 $0xFFFFFE00  }
0x87: {  	[tilespmem:s23], [sflag:$0x2] =	stream.indirect.gather [hbm4b:s1+s30], $0x1, s13, s30, $0xb8;
	[tilespmem:$0x5600] =	vst v63  }
0x88: {  	_ =	swait.ge [sflag:s31], $0x200  }
0x89: {  	[sflag:s31] =	ssyncset.done $0x0  }
0x8a: {  	s8 =	simm.s32 $0x4800;
	[sflag:s31] =	ssyncadd.s32 $0xFFFFFE00  }
0x8b: {  	[tilespmem:s8], [sflag:$0x2] =	stream.indirect.gather [hbm4b:s1+s30], $0x1, s14, s30, $0xb8;
	[tilespmem:$0x5600] =	vst v63  }
0x8c: {  	_ =	swait.ge [sflag:s31], $0x200  }
0x8d: {  	[sflag:s31] =	ssyncset.done $0x0  }
0x8e: {  	s22 =	simm.s32 $0x4A00;
	[sflag:s31] =	ssyncadd.s32 $0xFFFFFE00  }
0x8f: {  	[tilespmem:s22], [sflag:$0x2] =	stream.indirect.gather [hbm4b:s1+s30], $0x1, s15, s30, $0xb8;
	[tilespmem:$0x5600] =	vst v63  }
0x90: {  	_ =	swait.ge [sflag:s31], $0x200  }
0x91: {  	[sflag:s31] =	ssyncset.done $0x0  }
0x92: {  	s23 =	simm.s32 $0x4C00;
	[sflag:s31] =	ssyncadd.s32 $0xFFFFFE00  }
0x93: {  	[tilespmem:s23], [sflag:$0x2] =	stream.indirect.gather [hbm4b:s1+s30], $0x1, s16, s30, $0xb8;
	[tilespmem:$0x5600] =	vst v63  }
0x94: {  	_ =	swait.ge [sflag:s31], $0x200  }
0x95: {  	[sflag:s31] =	ssyncset.done $0x0  }
0x96: {  	s8 =	simm.s32 $0x4E00;
	[sflag:s31] =	ssyncadd.s32 $0xFFFFFE00  }
0x97: {  	[tilespmem:s8], [sflag:$0x2] =	stream.indirect.gather [hbm4b:s1+s30], $0x1, s17, s30, $0xb8;
	[tilespmem:$0x5600] =	vst v63  }
0x98: {  	_ =	swait.ge [sflag:s31], $0x200  }
0x99: {  	[sflag:s31] =	ssyncset.done $0x0  }
0x9a: {  	s22 =	simm.s32 $0x5000;
	[sflag:s31] =	ssyncadd.s32 $0xFFFFFE00  }
0x9b: {  	[tilespmem:s22], [sflag:$0x2] =	stream.indirect.gather [hbm4b:s1+s30], $0x1, s18, s30, $0xb8;
	[tilespmem:$0x5600] =	vst v63  }
0x9c: {  	_ =	swait.ge [sflag:s31], $0x200  }
0x9d: {  	[sflag:s31] =	ssyncset.done $0x0  }
0x9e: {  	s23 =	simm.s32 $0x5200;
	[sflag:s31] =	ssyncadd.s32 $0xFFFFFE00  }
0x9f: {  	[tilespmem:s23], [sflag:$0x2] =	stream.indirect.gather [hbm4b:s1+s30], $0x1, s19, s30, $0xb8;
	[tilespmem:$0x5600] =	vst v63  }
0xa0: {  	_ =	swait.ge [sflag:s20], $0x200  }
0xa1: {  	[sflag:s20] =	ssyncset.done $0x0  }
0xa2: {  	[sflag:s20] =	ssyncadd.s32 $0xFFFFFE00  }
0xa3: {  	_ =	swait.ge [sflag:s20], $0x200  }
0xa4: {  	[sflag:s20] =	ssyncset.done $0x0  }
0xa5: {  	[sflag:s20] =	ssyncadd.s32 $0xFFFFFE00  }
0xa6: {  	_ =	swait.ge [sflag:s20], $0x200  }
0xa7: {  	[sflag:s20] =	ssyncset.done $0x0  }
0xa8: {  	[sflag:s20] =	ssyncadd.s32 $0xFFFFFE00  }
0xa9: {  	_ =	swait.ge [sflag:s20], $0x200  }
0xaa: {  	[sflag:s20] =	ssyncset.done $0x0  }
0xab: {  	[sflag:s20] =	ssyncadd.s32 $0xFFFFFE00  }
0xac: {  	_ =	swait.ge [sflag:s20], $0x200  }
0xad: {  	[sflag:s20] =	ssyncset.done $0x0  }
0xae: {  	[sflag:s20] =	ssyncadd.s32 $0xFFFFFE00  }
0xaf: {  	_ =	swait.ge [sflag:s20], $0x200  }
0xb0: {  	[sflag:s20] =	ssyncset.done $0x0  }
0xb1: {  	[sflag:s20] =	ssyncadd.s32 $0xFFFFFE00  }
0xb2: {  	_ =	swait.ge [sflag:s20], $0x200  }
0xb3: {  	[sflag:s20] =	ssyncset.done $0x0  }
0xb4: {  	[sflag:s20] =	ssyncadd.s32 $0xFFFFFE00  }
0xb5: {  	_ =	swait.ge [sflag:s20], $0x200  }
0xb6: {  	[sflag:s20] =	ssyncset.done $0x0  }
0xb7: {  	[sflag:s20] =	ssyncadd.s32 $0xFFFFFE00  }
0xb8: {  	_ =	swait.ge [sflag:s20], $0x200  }
0xb9: {  	[sflag:s20] =	ssyncset.done $0x0  }
0xba: {  	[sflag:s20] =	ssyncadd.s32 $0xFFFFFE00  }
0xbb: {  	_ =	swait.ge [sflag:s20], $0x200  }
0xbc: {  	[sflag:s20] =	ssyncset.done $0x0  }
0xbd: {  	[sflag:s20] =	ssyncadd.s32 $0xFFFFFE00  }
0xbe: {  	_ =	swait.ge [sflag:s20], $0x200  }
0xbf: {  	[sflag:s20] =	ssyncset.done $0x0  }
0xc0: {  	[sflag:s20] =	ssyncadd.s32 $0xFFFFFE00  }
0xc1: {  	_ =	swait.ge [sflag:s20], $0x200  }
0xc2: {  	[sflag:s20] =	ssyncset.done $0x0  }
0xc3: {  	[sflag:s20] =	ssyncadd.s32 $0xFFFFFE00  }
0xc4: {  	_ =	swait.ge [sflag:s20], $0x200  }
0xc5: {  	[sflag:s20] =	ssyncset.done $0x0  }
0xc6: {  	[sflag:s20] =	ssyncadd.s32 $0xFFFFFE00  }
0xc7: {  	_ =	swait.ge [sflag:s20], $0x200  }
0xc8: {  	[sflag:s20] =	ssyncset.done $0x0  }
0xc9: {  	[sflag:s20] =	ssyncadd.s32 $0xFFFFFE00  }
0xca: {  	_ =	swait.ge [sflag:s20], $0x200  }
0xcb: {  	[sflag:s20] =	ssyncset.done $0x0  }
0xcc: {  	[sflag:s20] =	ssyncadd.s32 $0xFFFFFE00  }
0xcd: {  	_ =	swait.ge [sflag:s20], $0x200  }
0xce: {  	[sflag:s20] =	ssyncset.done $0x0  }
0xcf: {  	[sflag:s20] =	ssyncadd.s32 $0xFFFFFE00  }
0xd0: {  	_ =	swait.ge [sflag:s20], $0x200  }
0xd1: {  	[sflag:s20] =	ssyncset.done $0x0  }
0xd2: {  	[sflag:s20] =	ssyncadd.s32 $0xFFFFFE00  }
0xd3: {  	_ =	swait.ge [sflag:s20], $0x200  }
0xd4: {  	[sflag:s20] =	ssyncset.done $0x0  }
0xd5: {  	[sflag:s20] =	ssyncadd.s32 $0xFFFFFE00  }
0xd6: {  	_ =	swait.ge [sflag:s20], $0x200  }
0xd7: {  	[sflag:s20] =	ssyncset.done $0x0  }
0xd8: {  	[sflag:s20] =	ssyncadd.s32 $0xFFFFFE00  }
0xd9: {  	_ =	swait.ge [sflag:s20], $0x200  }
0xda: {  	[sflag:s20] =	ssyncset.done $0x0  }
0xdb: {  	[sflag:s20] =	ssyncadd.s32 $0xFFFFFE00  }
0xdc: {  	_ =	swait.ge [sflag:s20], $0x200  }
0xdd: {  	[sflag:s20] =	ssyncset.done $0x0  }
0xde: {  	[sflag:s20] =	ssyncadd.s32 $0xFFFFFE00  }
0xdf: {  	s8 =	sand.u32 $0x1F0, s3;
	v0 =	vld [tilespmem:s5+$0x0]  }
0xe0: {  	v1 =	vld [tilespmem:s8+$0x2C00];
	_ =	sdelay $0x2  }
0xe1: {  	v2 =	vld [tilespmem:s8+$0x2E00]  }
0xe2: {  	v0 =	vsub.f32 $0.0e+00, v0  }
0xe3: {  	v3 =	vld [tilespmem:s8+$0x3000];
	v1 =	vmul.f32 $1.442695020e+00, v1  }
0xe4: {  	v0 =	vmul.f32 $1.442695020e+00, v0  }
0xe5: {  	v4 =	vld [tilespmem:s8+$0x3200];
	(erf) = vpow2.f32 v1  }
0xe6: {  	v1 =	vmul.f32 $1.442695020e+00, v2;
	(erf) = vpow2.f32 v0  }
0xe7: {  	v0 =	vld [tilespmem:s8+$0x3400]  }
0xe8: {  	v2 =	vmul.f32 $1.442695020e+00, v3;
	(erf) = vpow2.f32 v1  }
0xe9: {  	v1 =	vld [tilespmem:s8+$0x3600]  }
0xea: {  	v41 =	vld [tilespmem:s8+$0x3800];
	v3 =	vmul.f32 $1.442695020e+00, v4;
	(erf) = vpow2.f32 v2;
	_ =	sdelay $0x1  }
0xeb: {  	v2 =	vld [tilespmem:s8+$0x3A00];
	(erf) = vpow2.f32 v3;
	v0 =	vmul.f32 $1.442695020e+00, v0;
	_ =	sdelay $0x1  }
0xec: {  	v3 =	vld [tilespmem:s8+$0x3C00];
	v1 =	vmul.f32 $1.442695020e+00, v1;
	v5 =	vpop (erf);
	(erf) = vpow2.f32 v0  }
0xed: {  	v0 =	vmul.f32 $1.442695020e+00, v41;
	v42 =	vpop (erf)  }
0xee: {  	v6 =	vld [tilespmem:s8+$0x3E00];
	v5 =	vadd.f32 $1.000000000e+00, v5;
	(erf) = vpow2.f32 v1;
	v4 =	vadd.f32 $1.000000000e+00, v42  }
0xef: {  	v1 =	vmul.f32 $1.442695020e+00, v2;
	v2 =	vpop (erf)  }
0xf0: {  	v43 =	vld [tilespmem:s8+$0x4000];
	(erf) = vpow2.f32 v0;
	v2 =	vadd.f32 $1.000000000e+00, v2;
	v4 =	vmul.f32 v5, v4  }
0xf1: {  	v0 =	vmul.f32 $1.442695020e+00, v3;
	v3 =	vpop (erf)  }
0xf2: {  	v44 =	vld [tilespmem:s8+$0x4200];
	(erf) = vpow2.f32 v1;
	v3 =	vadd.f32 $1.000000000e+00, v3;
	v2 =	vmul.f32 v2, v4  }
0xf3: {  	v1 =	vmul.f32 $1.442695020e+00, v6;
	v45 =	vpop (erf)  }
0xf4: {  	v46 =	vld [tilespmem:s8+$0x4400];
	(erf) = vpow2.f32 v0;
	v2 =	vmul.f32 v3, v2;
	v3 =	vadd.f32 $1.000000000e+00, v45  }
0xf5: {  	v0 =	vmul.f32 $1.442695020e+00, v43;
	v47 =	vpop (erf)  }
0xf6: {  	v48 =	vld [tilespmem:s8+$0x4600];
	(erf) = vpow2.f32 v1;
	v2 =	vmul.f32 v3, v2;
	v3 =	vadd.f32 $1.000000000e+00, v47  }
0xf7: {  	v1 =	vmul.f32 $1.442695020e+00, v44;
	v49 =	vpop (erf)  }
0xf8: {  	(erf) = vpow2.f32 v0;
	v2 =	vmul.f32 v3, v2;
	v3 =	vadd.f32 $1.000000000e+00, v49  }
0xf9: {  	v0 =	vmul.f32 $1.442695020e+00, v46;
	v51 =	vpop (erf)  }
0xfa: {  	v50 =	vld [tilespmem:s8+$0x4800];
	(erf) = vpow2.f32 v1;
	v2 =	vmul.f32 v3, v2;
	v3 =	vadd.f32 $1.000000000e+00, v51  }
0xfb: {  	v1 =	vmul.f32 $1.442695020e+00, v48;
	v53 =	vpop (erf)  }
0xfc: {  	v52 =	vld [tilespmem:s8+$0x4A00];
	(erf) = vpow2.f32 v0;
	v2 =	vmul.f32 v3, v2;
	v3 =	vadd.f32 $1.000000000e+00, v53  }
0xfd: {  	v55 =	vpop (erf)  }
0xfe: {  	v54 =	vld [tilespmem:s8+$0x4C00];
	(erf) = vpow2.f32 v1;
	v2 =	vmul.f32 v3, v2;
	v3 =	vadd.f32 $1.000000000e+00, v55  }
0xff: {  	v0 =	vmul.f32 $1.442695020e+00, v50;
	v57 =	vpop (erf)  }
0x100: {  	v56 =	vld [tilespmem:s8+$0x4E00];
	v2 =	vmul.f32 v3, v2;
	v3 =	vadd.f32 $1.000000000e+00, v57  }
0x101: {  	v58 =	vld [tilespmem:s8+$0x5000];
	v1 =	vmul.f32 $1.442695020e+00, v52;
	(erf) = vpow2.f32 v0;
	v59 =	vpop (erf)  }
0x102: {  	v2 =	vmul.f32 v3, v2;
	v3 =	vadd.f32 $1.000000000e+00, v59  }
0x103: {  	v60 =	vld [tilespmem:s8+$0x5200];
	v0 =	vmul.f32 $1.442695020e+00, v54;
	(erf) = vpow2.f32 v1;
	v61 =	vpop (erf)  }
0x104: {  	v2 =	vmul.f32 v3, v2;
	v3 =	vadd.f32 $1.000000000e+00, v61  }
0x105: {  	v1 =	vmul.f32 $1.442695020e+00, v56;
	(erf) = vpow2.f32 v0;
	v62 =	vpop (erf)  }
0x106: {  	v0 =	vmul.f32 $1.442695020e+00, v58;
	v2 =	vmul.f32 v3, v2;
	v3 =	vadd.f32 $1.000000000e+00, v62  }
0x107: {  	(erf) = vpow2.f32 v1;
	v63 =	vpop (erf)  }
0x108: {  	v1 =	vmul.f32 $1.442695020e+00, v60;
	v2 =	vmul.f32 v3, v2;
	v3 =	vadd.f32 $1.000000000e+00, v63  }
0x109: {  	(erf) = vpow2.f32 v0  }
0x10a: {  	v0 =	vpop (erf);
	v2 =	vmul.f32 v3, v2  }
0x10b: {  	(erf) = vpow2.f32 v1;
	v0 =	vadd.f32 $1.000000000e+00, v0  }
0x10c: {  	v1 =	vpop (erf)  }
0x10d: {  	v1 =	vadd.f32 $1.000000000e+00, v1;
	v0 =	vmul.f32 v0, v2  }
0x10e: {  	v2 =	vpop (erf)  }
0x10f: {  	v0 =	vmul.f32 v1, v0;
	v1 =	vadd.f32 $1.000000000e+00, v2  }
0x110: {  	v2 =	vpop (erf)  }
0x111: {  	v0 =	vmul.f32 v1, v0;
	v1 =	vadd.f32 $1.000000000e+00, v2  }
0x112: {  	v2 =	vpop (erf)  }
0x113: {  	v0 =	vmul.f32 v1, v0;
	v1 =	vadd.f32 $1.000000000e+00, v2  }
0x114: {  	v2 =	vpop (erf)  }
0x115: {  	v0 =	vmul.f32 v1, v0;
	v1 =	vadd.f32 $1.000000000e+00, v2;
	_ =	sdelay $0x1  }
0x116: {  	v0 =	vmul.f32 v1, v0;
	_ =	sdelay $0x1  }
0x117: {  	s22 =	simm.s32 $0x10;
	s23 =	simm.s32 $0x2A10;
	[tilespmem:s0+$0x0] =	vst v0  }
0x118: {  	s6 =	simm.s32 $0x20;
	s5 =	sand.u32 $0x1F0, s22;
	s22 =	simm.s32 $0x5400;
	v0 =	vld [tilespmem:s23+$0x0]  }
.LBB2_2:
0x119: {  	p0 =	sne.s32 s6, $0x1F0;
	v1 =	vld [tilespmem:s5+$0x2C00];
	_ =	sdelay $0x2  }
0x11a: {  	v2 =	vld [tilespmem:s5+$0x2E00]  }
0x11b: {  	v0 =	vsub.f32 $0.0e+00, v0  }
0x11c: {  	v1 =	vmul.f32 $1.442695020e+00, v1;
	v3 =	vld [tilespmem:s5+$0x3000]  }
0x11d: {  	v0 =	vmul.f32 $1.442695020e+00, v0  }
0x11e: {  	v4 =	vld [tilespmem:s5+$0x3200];
	(erf) = vpow2.f32 v1  }
0x11f: {  	v1 =	vmul.f32 $1.442695020e+00, v2;
	(erf) = vpow2.f32 v0  }
0x120: {  	v0 =	vld [tilespmem:s5+$0x3400]  }
0x121: {  	v2 =	vmul.f32 $1.442695020e+00, v3;
	(erf) = vpow2.f32 v1  }
0x122: {  	v1 =	vld [tilespmem:s5+$0x3600]  }
0x123: {  	v3 =	vmul.f32 $1.442695020e+00, v4;
	v4 =	vld [tilespmem:s5+$0x3800];
	(erf) = vpow2.f32 v2;
	_ =	sdelay $0x1  }
0x124: {  	v0 =	vmul.f32 $1.442695020e+00, v0;
	v2 =	vld [tilespmem:s5+$0x3A00];
	(erf) = vpow2.f32 v3;
	_ =	sdelay $0x1  }
0x125: {  	v1 =	vmul.f32 $1.442695020e+00, v1;
	v3 =	vld [tilespmem:s5+$0x3C00];
	v5 =	vpop (erf);
	(erf) = vpow2.f32 v0  }
0x126: {  	v0 =	vmul.f32 $1.442695020e+00, v4;
	v4 =	vpop (erf)  }
0x127: {  	v5 =	vadd.f32 $1.000000000e+00, v5;
	v4 =	vadd.f32 $1.000000000e+00, v4;
	v6 =	vld [tilespmem:s5+$0x3E00];
	(erf) = vpow2.f32 v1  }
0x128: {  	v1 =	vmul.f32 $1.442695020e+00, v2;
	v2 =	vpop (erf)  }
0x129: {  	v4 =	vmul.f32 v5, v4;
	v2 =	vadd.f32 $1.000000000e+00, v2;
	v5 =	vld [tilespmem:s5+$0x4000];
	(erf) = vpow2.f32 v0  }
0x12a: {  	v0 =	vmul.f32 $1.442695020e+00, v3;
	v3 =	vpop (erf)  }
0x12b: {  	v2 =	vmul.f32 v2, v4;
	v3 =	vadd.f32 $1.000000000e+00, v3;
	v4 =	vld [tilespmem:s5+$0x4200];
	(erf) = vpow2.f32 v1  }
0x12c: {  	v1 =	vmul.f32 $1.442695020e+00, v6;
	v6 =	vpop (erf)  }
0x12d: {  	v2 =	vmul.f32 v3, v2;
	v3 =	vadd.f32 $1.000000000e+00, v6;
	v6 =	vld [tilespmem:s5+$0x4400];
	(erf) = vpow2.f32 v0  }
0x12e: {  	v0 =	vmul.f32 $1.442695020e+00, v5;
	v5 =	vpop (erf)  }
0x12f: {  	v2 =	vmul.f32 v3, v2;
	v3 =	vadd.f32 $1.000000000e+00, v5;
	v5 =	vld [tilespmem:s5+$0x4600];
	(erf) = vpow2.f32 v1  }
0x130: {  	v1 =	vmul.f32 $1.442695020e+00, v4;
	v4 =	vpop (erf)  }
0x131: {  	v2 =	vmul.f32 v3, v2;
	v3 =	vadd.f32 $1.000000000e+00, v4;
	v4 =	vld [tilespmem:s5+$0x4800];
	(erf) = vpow2.f32 v0  }
0x132: {  	v0 =	vmul.f32 $1.442695020e+00, v6;
	v6 =	vpop (erf)  }
0x133: {  	v2 =	vmul.f32 v3, v2;
	v3 =	vadd.f32 $1.000000000e+00, v6;
	v6 =	vld [tilespmem:s5+$0x4A00];
	(erf) = vpow2.f32 v1  }
0x134: {  	v1 =	vmul.f32 $1.442695020e+00, v5;
	v5 =	vpop (erf)  }
0x135: {  	v2 =	vmul.f32 v3, v2;
	v3 =	vadd.f32 $1.000000000e+00, v5;
	v5 =	vld [tilespmem:s5+$0x4C00];
	(erf) = vpow2.f32 v0  }
0x136: {  	v0 =	vmul.f32 $1.442695020e+00, v4;
	v4 =	vpop (erf)  }
0x137: {  	v2 =	vmul.f32 v3, v2;
	v3 =	vadd.f32 $1.000000000e+00, v4;
	v4 =	vld [tilespmem:s5+$0x4E00];
	(erf) = vpow2.f32 v1  }
0x138: {  	v1 =	vmul.f32 $1.442695020e+00, v6;
	v6 =	vpop (erf)  }
0x139: {  	v2 =	vmul.f32 v3, v2;
	v3 =	vadd.f32 $1.000000000e+00, v6;
	v6 =	vld [tilespmem:s5+$0x5000];
	(erf) = vpow2.f32 v0  }
0x13a: {  	v0 =	vmul.f32 $1.442695020e+00, v5;
	v5 =	vpop (erf)  }
0x13b: {  	v2 =	vmul.f32 v3, v2;
	v3 =	vadd.f32 $1.000000000e+00, v5;
	v5 =	vld [tilespmem:s5+$0x5200];
	(erf) = vpow2.f32 v1  }
0x13c: {  	v1 =	vmul.f32 $1.442695020e+00, v4;
	v4 =	vpop (erf)  }
0x13d: {  	v2 =	vmul.f32 v3, v2;
	v3 =	vadd.f32 $1.000000000e+00, v4;
	(erf) = vpow2.f32 v0  }
0x13e: {  	v0 =	vmul.f32 $1.442695020e+00, v6;
	v4 =	vpop (erf)  }
0x13f: {  	v2 =	vmul.f32 v3, v2;
	v3 =	vadd.f32 $1.000000000e+00, v4;
	(erf) = vpow2.f32 v1  }
0x140: {  	v1 =	vmul.f32 $1.442695020e+00, v5;
	v4 =	vpop (erf)  }
0x141: {  	v2 =	vmul.f32 v3, v2;
	v3 =	vadd.f32 $1.000000000e+00, v4;
	(erf) = vpow2.f32 v0  }
0x142: {  	v0 =	vpop (erf)  }
0x143: {  	v3 =	vmul.f32 v3, v2;
	v0 =	vadd.f32 $1.000000000e+00, v0;
	(erf) = vpow2.f32 v1  }
0x144: {  	v1 =	vpop (erf)  }
0x145: {  	v0 =	vmul.f32 v0, v3;
	v1 =	vadd.f32 $1.000000000e+00, v1  }
0x146: {  	v2 =	vpop (erf)  }
0x147: {  	v0 =	vmul.f32 v1, v0;
	v1 =	vadd.f32 $1.000000000e+00, v2  }
0x148: {  	v2 =	vpop (erf)  }
0x149: {  	v0 =	vmul.f32 v1, v0;
	v1 =	vadd.f32 $1.000000000e+00, v2  }
0x14a: {  	v2 =	vpop (erf)  }
0x14b: {  	v0 =	vmul.f32 v1, v0;
	v1 =	vadd.f32 $1.000000000e+00, v2  }
0x14c: {  	v2 =	vpop (erf)  }
0x14d: {  	v0 =	vmul.f32 v1, v0;
	v1 =	vadd.f32 $1.000000000e+00, v2  }
.Ltmp0:
0x14e: {  	(pc) =	sbr.rel @p0 .LBB2_2-.Ltmp0, $4  }
0x14f: {  	v0 =	vmul.f32 v1, v0  }
0x150: {  	s22 =	sadd.s32 $0x10, s22  }
0x151: {  	s23 =	sadd.s32 $0x10, s23;
	[tilespmem:s22+$0x0] =	vst v0  }
0x152: {  	s5 =	sand.u32 $0x1F0, s6;
	s6 =	sadd.s32 $0x10, s6;
	v0 =	vld [tilespmem:s23+$0x0]  }
0x153: {  	v1 =	vld [tilespmem:s5+$0x2C00];
	_ =	sdelay $0x2  }
0x154: {  	v2 =	vld [tilespmem:s5+$0x2E00]  }
0x155: {  	v0 =	vsub.f32 $0.0e+00, v0  }
0x156: {  	v3 =	vld [tilespmem:s5+$0x3000];
	v1 =	vmul.f32 $1.442695020e+00, v1  }
0x157: {  	v0 =	vmul.f32 $1.442695020e+00, v0  }
0x158: {  	v4 =	vld [tilespmem:s5+$0x3200];
	(erf) = vpow2.f32 v1  }
0x159: {  	v53 =	vmul.f32 $1.442695020e+00, v2;
	(erf) = vpow2.f32 v0  }
0x15a: {  	v54 =	vld [tilespmem:s5+$0x3400]  }
0x15b: {  	v55 =	vmul.f32 $1.442695020e+00, v3;
	(erf) = vpow2.f32 v53  }
0x15c: {  	v56 =	vld [tilespmem:s5+$0x3600]  }
0x15d: {  	v58 =	vld [tilespmem:s5+$0x3800];
	v57 =	vmul.f32 $1.442695020e+00, v4;
	(erf) = vpow2.f32 v55;
	_ =	sdelay $0x1  }
0x15e: {  	v59 =	vld [tilespmem:s5+$0x3A00];
	v0 =	vmul.f32 $1.442695020e+00, v54;
	(erf) = vpow2.f32 v57;
	_ =	sdelay $0x1  }
0x15f: {  	v60 =	vld [tilespmem:s5+$0x3C00];
	v1 =	vmul.f32 $1.442695020e+00, v56;
	v5 =	vpop (erf);
	(erf) = vpow2.f32 v0  }
0x160: {  	v61 =	vmul.f32 $1.442695020e+00, v58;
	v62 =	vpop (erf)  }
0x161: {  	v6 =	vld [tilespmem:s5+$0x3E00];
	v5 =	vadd.f32 $1.000000000e+00, v5;
	(erf) = vpow2.f32 v1;
	v4 =	vadd.f32 $1.000000000e+00, v62  }
0x162: {  	v63 =	vmul.f32 $1.442695020e+00, v59;
	v8 =	vpop (erf)  }
0x163: {  	v9 =	vld [tilespmem:s5+$0x4000];
	(erf) = vpow2.f32 v61;
	v2 =	vadd.f32 $1.000000000e+00, v8;
	v4 =	vmul.f32 v5, v4  }
0x164: {  	v10 =	vmul.f32 $1.442695020e+00, v60;
	v11 =	vpop (erf)  }
0x165: {  	v12 =	vld [tilespmem:s5+$0x4200];
	(erf) = vpow2.f32 v63;
	v3 =	vadd.f32 $1.000000000e+00, v11;
	v2 =	vmul.f32 v2, v4  }
0x166: {  	v13 =	vmul.f32 $1.442695020e+00, v6;
	v14 =	vpop (erf)  }
0x167: {  	v16 =	vld [tilespmem:s5+$0x4400];
	(erf) = vpow2.f32 v10;
	v15 =	vadd.f32 $1.000000000e+00, v14;
	v2 =	vmul.f32 v3, v2  }
0x168: {  	v17 =	vmul.f32 $1.442695020e+00, v9;
	v18 =	vpop (erf)  }
0x169: {  	v20 =	vld [tilespmem:s5+$0x4600];
	(erf) = vpow2.f32 v13;
	v2 =	vmul.f32 v15, v2;
	v19 =	vadd.f32 $1.000000000e+00, v18  }
0x16a: {  	v21 =	vmul.f32 $1.442695020e+00, v12;
	v22 =	vpop (erf)  }
0x16b: {  	v24 =	vld [tilespmem:s5+$0x4800];
	(erf) = vpow2.f32 v17;
	v23 =	vadd.f32 $1.000000000e+00, v22;
	v2 =	vmul.f32 v19, v2  }
0x16c: {  	v25 =	vmul.f32 $1.442695020e+00, v16;
	v26 =	vpop (erf)  }
0x16d: {  	v28 =	vld [tilespmem:s5+$0x4A00];
	(erf) = vpow2.f32 v21;
	v27 =	vadd.f32 $1.000000000e+00, v26;
	v2 =	vmul.f32 v23, v2  }
0x16e: {  	v29 =	vmul.f32 $1.442695020e+00, v20;
	v30 =	vpop (erf)  }
0x16f: {  	v32 =	vld [tilespmem:s5+$0x4C00];
	(erf) = vpow2.f32 v25;
	v31 =	vadd.f32 $1.000000000e+00, v30;
	v2 =	vmul.f32 v27, v2  }
0x170: {  	v33 =	vmul.f32 $1.442695020e+00, v24;
	v34 =	vpop (erf)  }
0x171: {  	v36 =	vld [tilespmem:s5+$0x4E00];
	(erf) = vpow2.f32 v29;
	v35 =	vadd.f32 $1.000000000e+00, v34;
	v2 =	vmul.f32 v31, v2  }
0x172: {  	v37 =	vmul.f32 $1.442695020e+00, v28;
	v38 =	vpop (erf)  }
0x173: {  	v40 =	vld [tilespmem:s5+$0x5000];
	(erf) = vpow2.f32 v33;
	v39 =	vadd.f32 $1.000000000e+00, v38;
	v2 =	vmul.f32 v35, v2  }
0x174: {  	v41 =	vmul.f32 $1.442695020e+00, v32;
	v42 =	vpop (erf)  }
0x175: {  	v44 =	vld [tilespmem:s5+$0x5200];
	(erf) = vpow2.f32 v37;
	v43 =	vadd.f32 $1.000000000e+00, v42;
	v2 =	vmul.f32 v39, v2  }
0x176: {  	v45 =	vmul.f32 $1.442695020e+00, v36;
	v46 =	vpop (erf)  }
0x177: {  	(erf) = vpow2.f32 v41;
	v47 =	vadd.f32 $1.000000000e+00, v46;
	v2 =	vmul.f32 v43, v2  }
0x178: {  	v48 =	vmul.f32 $1.442695020e+00, v40;
	v49 =	vpop (erf)  }
0x179: {  	(erf) = vpow2.f32 v45;
	v50 =	vadd.f32 $1.000000000e+00, v49;
	v2 =	vmul.f32 v47, v2  }
0x17a: {  	v51 =	vmul.f32 $1.442695020e+00, v44;
	v52 =	vpop (erf)  }
0x17b: {  	(erf) = vpow2.f32 v48;
	v53 =	vadd.f32 $1.000000000e+00, v52;
	v2 =	vmul.f32 v50, v2  }
0x17c: {  	v54 =	vpop (erf)  }
0x17d: {  	(erf) = vpow2.f32 v51;
	v0 =	vadd.f32 $1.000000000e+00, v54;
	v2 =	vmul.f32 v53, v2  }
0x17e: {  	v55 =	vpop (erf)  }
0x17f: {  	v1 =	vadd.f32 $1.000000000e+00, v55;
	v0 =	vmul.f32 v0, v2  }
0x180: {  	v56 =	vpop (erf)  }
0x181: {  	v57 =	vadd.f32 $1.000000000e+00, v56;
	v0 =	vmul.f32 v1, v0  }
0x182: {  	v58 =	vpop (erf)  }
0x183: {  	v59 =	vadd.f32 $1.000000000e+00, v58;
	v0 =	vmul.f32 v57, v0  }
0x184: {  	v60 =	vpop (erf)  }
0x185: {  	v61 =	vadd.f32 $1.000000000e+00, v60;
	v0 =	vmul.f32 v59, v0  }
0x186: {  	v62 =	vpop (erf)  }
0x187: {  	v63 =	vadd.f32 $1.000000000e+00, v62;
	v0 =	vmul.f32 v61, v0;
	_ =	sdelay $0x1  }
0x188: {  	v0 =	vmul.f32 v63, v0  }
0x189: {  	s8 =	sadd.s32 $0x10, s22  }
0x18a: {  	s22 =	rddreg [dreg:$0x17];
	[tilespmem:s8+$0x0] =	vst v0  }
0x18b: {  	[hbm4b:s22+s3] =	stream.linear.scatter [tilespmem:s0], [sflag:$0x3], $0x200, $0x38;
	[tilespmem:$0x5600] =	vst v63  }
0x18c: {  	_ =	swait.ge [sflag:s21], $0x200  }
0x18d: {  	s2 =	sadd.s32 $0x1, s2;
	s23 =	rddreg [dreg:$0x19]  }
0x18e: {  	p0 =	sne.s32 s2, s23  }
.Ltmp1:
0x18f: {  	_ = 	snop;
	(pc) =	sbr.rel @p0 .LBB2_1-.Ltmp1, $3  }
0x190: {  	_ =	sdelay $0x1  }
0x191: {  	[sflag:s21] =	ssyncset.done $0x0  }
0x192: {  	[sflag:s21] =	ssyncadd.s32 $0xFFFFFE00  }
0x193: {  	_ =	sfence.sel $0x180000  }
0x194: {  	[bflag:$0x0] =	sbarrier.arrive $0xFFFF  }
0x195: {  	_ =	strace $0x90000047  }
0x196: {  	s0 =	stileid.u32;
	[bflag:$0x2] =	sbarrier.arrive $0xFFFF  }
0x197: {  	p0 =	sne.s32 s0, $0x0;
	s0 =	rddreg [dreg:$0x4]  }
0x198: {  	s0 =	sadd.s32 @!p0 $0x100000, s0  }
0x199: {  	[sflag:s0] =	ssyncadd.tile.s32 @!p0 $0x1;
	_ =	shalt  }
.Lfunc_end2:
_tile_overlayer_lowered:
.L_overlay_start_2:
0x19a: {  	(tag) =	ssettag $0x2  }
0x19b: {  	s0 =	rddreg [dreg:$0x0];
	s2 =	stileid.u32  }
0x19c: {  	s1 =	rddreg [dreg:$0x1];
	p0 =	sne.s32 s2, $0x0  }
0x19d: {  	s3 =	rddreg [dreg:$0x2];
	[bflag:$0x3] =	sbarrier.arrive $0xFFFF;
	s2 =	simm.s32 @!p0 $0x1C03  }
0x19e: {  	[timem:s3], [sflag:s2] =	dma.local @!p0 [hbm:s0], s1  }
0x19f: {  	s0 =	simm.s32 @!p0 $0x3  }
0x1a0: {  	_ =	swait.ge @!p0 [sflag:s0], s1  }
0x1a1: {  	s1 =	ssub.s32 @!p0 $0x0, s1;
	[sflag:s0] =	ssyncset.done @!p0 $0x0  }
0x1a2: {  	[sflag:s0] =	ssyncadd.s32 @!p0 s1  }
0x1a3: {  	[bflag:$0x3] =	sbarrier.arrive $0xFFFF  }
0x1a4: {  	_ =	shalt  }

</sc_bundles>
